<compile_context>
chip_gen: v7x
topology: tpu7x:2x2x1
jax: 0.10.2.dev20260603
libtpu: 0.0.44.dev20260713+nightly
codegen_flags: <defaults>
</compile_context>

<pallas_src>
import functools

import numpy as np
import jax
import jax.numpy as jnp
from jax import lax
from jax.experimental import pallas as pl
from jax.experimental.pallas import tpu as pltpu
from jax.experimental.pallas import tpu_sc as plsc

N = 50
NPAIR = N * (N - 1) // 2
PP = 1280
B = 4096
NW = 32
ROWS_W = B // NW
L = 16

_LN2 = float(np.log(2.0))


def _pair_indices():
    ii = np.zeros(PP, np.int32)
    jj = np.zeros(PP, np.int32)
    p = 0
    for i in range(N):
        for j in range(i + 1, N):
            ii[p] = i
            jj[p] = j
            p += 1
    return ii, jj


_I_NP, _J_NP = _pair_indices()

_ZG = np.linspace(0.0, 1.0, 4097)
_PC = np.polyfit(_ZG, np.log2(1.0 + _ZG), 10).astype(np.float32)

_MANT = np.int32(0x007FFFFF)
_ONEBITS = np.int32(0x3F800000)

_mesh = plsc.VectorSubcoreMesh(core_axis_name="c", subcore_axis_name="s")


@functools.partial(
    pl.kernel,
    mesh=_mesh,
    out_type=jax.ShapeDtypeStruct((NW, L), jnp.float32),
    scratch_types=[
        pltpu.VMEM((ROWS_W * N + L,), jnp.float32),
        pltpu.VMEM((ROWS_W * N + L,), jnp.float32),
        pltpu.VMEM((L,), jnp.float32),
    ],
)
def _sc_kernel(s_hbm, t_hbm, out_hbm, s_v, t_v, res_v):
    wid = lax.axis_index("s") * 2 + lax.axis_index("c")
    base = wid * ROWS_W * N
    pltpu.sync_copy(s_hbm.at[pl.ds(base, ROWS_W * N)],
                    s_v.at[pl.ds(0, ROWS_W * N)])
    pltpu.sync_copy(t_hbm.at[pl.ds(base, ROWS_W * N)],
                    t_v.at[pl.ds(0, ROWS_W * N)])

    lanes = lax.iota(jnp.int32, L)

    def row_body(r, carry):
        prod, eacc, linacc = carry
        rb = r * N

        def make_chunk(c):
            def chunk_body(k, carry2):
                prod, eacc, linacc = carry2
                o1 = rb + L * c
                o2 = o1 + k
                si = s_v[pl.ds(o1, L)]
                sj = s_v[pl.ds(o2, L)]
                ti = t_v[pl.ds(o1, L)]
                tj = t_v[pl.ds(o2, L)]
                mask = lanes < (N - k - L * c)
                d0 = si - sj
                x = d0 * jnp.sign(ti - tj)
                q = 1.0 + jnp.exp(-jnp.abs(d0))
                prod = prod * jnp.where(mask, q, 1.0)
                linacc = linacc + jnp.where(mask, jnp.maximum(-x, 0.0), 0.0)
                return prod, eacc, linacc
            return chunk_body

        prod, eacc, linacc = lax.fori_loop(1, N, make_chunk(0),
                                           (prod, eacc, linacc))
        prod, eacc, linacc = lax.fori_loop(1, N - L, make_chunk(1),
                                           (prod, eacc, linacc))
        prod, eacc, linacc = lax.fori_loop(1, N - 2 * L, make_chunk(2),
                                           (prod, eacc, linacc))
        prod, eacc, linacc = make_chunk(3)(1, (prod, eacc, linacc))
        bits = lax.bitcast_convert_type(prod, jnp.int32)
        e = lax.shift_right_logical(bits, 23) - 127
        eacc = eacc + e.astype(jnp.float32)
        prod = lax.bitcast_convert_type((bits & _MANT) | _ONEBITS, jnp.float32)
        return prod, eacc, linacc

    prod, eacc, linacc = lax.fori_loop(
        0, ROWS_W, row_body,
        (jnp.ones((L,), jnp.float32), jnp.zeros((L,), jnp.float32),
         jnp.zeros((L,), jnp.float32)))

    z = prod - 1.0
    poly = jnp.zeros((L,), jnp.float32) + np.float32(_PC[0])
    for c in _PC[1:]:
        poly = poly * z + np.float32(c)
    total = (eacc + poly) * np.float32(_LN2) + linacc
    res_v[...] = total
    pltpu.sync_copy(res_v, out_hbm.at[wid])


@functools.partial(jax.jit, static_argnames=())
def kernel(student_scores, teacher_scores):
    partial = _sc_kernel(student_scores.reshape(-1), teacher_scores.reshape(-1))
    return jnp.sum(partial) / np.float32(NPAIR * B)

# --- scband reference (transcript-rebuilt; emitter-appended) ---
"""Pipeline reference for scband-distill-rank-net-loss-25589415149771 (READ-ONLY COPY).

The authoritative reference and input builder live on the scoring server;
editing this copy changes nothing except your own understanding.
"""

import jax, jax.numpy as jnp
import numpy as np


def setup_inputs(seed: int = 0) -> dict:
    key = jax.random.key(seed)
    k1, k2 = jax.random.split(key)
    student_scores = jax.random.normal(k1, (4096, 50), dtype=jnp.float32)
    teacher_scores = jax.random.normal(k2, (4096, 50), dtype=jnp.float32)
    return {"student_scores": student_scores, "teacher_scores": teacher_scores}


def reference(student_scores, teacher_scores):
    # get_pairwise_idcs: torch.nonzero(targets[..., None] > targets[:, None], as_tuple=True)
    mask = teacher_scores[..., None] > teacher_scores[:, None, :]  # (B, N, N)
    margin = student_scores[..., None] - student_scores[:, None, :]  # (B, N, N)
    # binary_cross_entropy_with_logits(margin, ones_like(margin)) with mean reduction
    # = mean(-log(sigmoid(margin))) = mean(softplus(-margin))
    vals = jnp.where(mask, jax.nn.softplus(-margin), jnp.float32(0.0))
    count = jnp.sum(mask)
    loss = jnp.sum(vals) / count
    return loss

if __name__ == "__main__":
    import jax
    _d = setup_inputs()
    print(jax.jit(kernel)(*tuple(_d.values())))

</pallas_src>

<mosaic_0001>
#map = affine_map<(d0, d1) -> (0)>
#map1 = affine_map<(d0, d1) -> (0, 0)>
module attributes {stable_mosaic.version = 14 : i64} {
  func.func @_sc_kernel(%arg0: i32, %arg1: i32, %arg2: memref<204800xf32, #tpu.memory_space<hbm>>, %arg3: memref<204800xf32, #tpu.memory_space<hbm>>, %arg4: memref<32x16xf32, #tpu.memory_space<hbm>>, %arg5: memref<6416xf32, #tpu.memory_space<vmem>>, %arg6: memref<6416xf32, #tpu.memory_space<vmem>>, %arg7: memref<16xf32, #tpu.memory_space<vmem>>) attributes {dimension_semantics = [#tpu.dimension_semantics<core_parallel>, #tpu.dimension_semantics<subcore_parallel>], iteration_bounds = array<i64: 2, 16>, scalar_prefetch = 0 : i64, scratch_operands = 3 : i64, tpu.core_type = #tpu.core_type<sc_vector_subcore>, window_params = [{transform_indices = #map}, {transform_indices = #map}, {transform_indices = #map1}]} {
    %mul3A = arith.constant 2 : i32
    %mul3A_0 = arith.muli %arg1, %mul3A : i32
    %add3A = arith.addi %mul3A_0, %arg0 : i32
    %mul3A_1 = arith.constant 128 : i32
    %mul3A_2 = arith.muli %add3A, %mul3A_1 : i32
    %mul3A_3 = arith.constant 50 : i32
    %mul3A_4 = arith.muli %mul3A_2, %mul3A_3 : i32
    "tpu.region"() ({
      %run_scoped3A = tpu.sem_alloc : memref<!tpu.dma_semaphore, #tpu.memory_space<semaphore_mem>>
      %dma_start3A = arith.constant 0 : i32
      %dma_start3A_70 = tpu.memref_slice %arg5[%dma_start3A] : memref<6416xf32, #tpu.memory_space<vmem>> -> memref<6400xf32, #tpu.memory_space<vmem>>
      %dma_start3A_71 = tpu.memref_slice %arg2[%mul3A_4] : memref<204800xf32, #tpu.memory_space<hbm>> -> memref<6400xf32, #tpu.memory_space<hbm>>
      %dma_start3A_72 = arith.constant 0 : i32
      %dma_start3A_73 = tpu.memref_slice %arg5[%dma_start3A_72] : memref<6416xf32, #tpu.memory_space<vmem>> -> memref<6400xf32, #tpu.memory_space<vmem>>
      %dma_start3A_74 = tpu.memref_slice %arg2[%mul3A_4] : memref<204800xf32, #tpu.memory_space<hbm>> -> memref<6400xf32, #tpu.memory_space<hbm>>
      tpu.enqueue_dma source(%dma_start3A_74 : memref<6400xf32, #tpu.memory_space<hbm>>) target(%dma_start3A_73 : memref<6400xf32, #tpu.memory_space<vmem>>) target_semaphore(%run_scoped3A : memref<!tpu.dma_semaphore, #tpu.memory_space<semaphore_mem>>)
      %dma_wait3A = arith.constant 0 : i32
      %dma_wait3A_75 = tpu.memref_slice %arg5[%dma_wait3A] : memref<6416xf32, #tpu.memory_space<vmem>> -> memref<6400xf32, #tpu.memory_space<vmem>>
      %dma_wait3A_76 = tpu.memref_slice %arg2[%mul3A_4] : memref<204800xf32, #tpu.memory_space<hbm>> -> memref<6400xf32, #tpu.memory_space<hbm>>
      %dma_wait3A_77 = arith.constant 0 : i32
      %dma_wait3A_78 = tpu.memref_slice %arg5[%dma_wait3A_77] : memref<6416xf32, #tpu.memory_space<vmem>> -> memref<6400xf32, #tpu.memory_space<vmem>>
      %dma_wait3A_79 = tpu.memref_slice %arg2[%mul3A_4] : memref<204800xf32, #tpu.memory_space<hbm>> -> memref<6400xf32, #tpu.memory_space<hbm>>
      tpu.wait_dma2 semaphore(%run_scoped3A : memref<!tpu.dma_semaphore, #tpu.memory_space<semaphore_mem>>) src(%dma_wait3A_79 : memref<6400xf32, #tpu.memory_space<hbm>>) dst(%dma_wait3A_78 : memref<6400xf32, #tpu.memory_space<vmem>>)
      tpu.yield
    }) : () -> ()
    "tpu.region"() ({
      %run_scoped3A = tpu.sem_alloc : memref<!tpu.dma_semaphore, #tpu.memory_space<semaphore_mem>>
      %dma_start3A = arith.constant 0 : i32
      %dma_start3A_70 = tpu.memref_slice %arg6[%dma_start3A] : memref<6416xf32, #tpu.memory_space<vmem>> -> memref<6400xf32, #tpu.memory_space<vmem>>
      %dma_start3A_71 = tpu.memref_slice %arg3[%mul3A_4] : memref<204800xf32, #tpu.memory_space<hbm>> -> memref<6400xf32, #tpu.memory_space<hbm>>
      %dma_start3A_72 = arith.constant 0 : i32
      %dma_start3A_73 = tpu.memref_slice %arg6[%dma_start3A_72] : memref<6416xf32, #tpu.memory_space<vmem>> -> memref<6400xf32, #tpu.memory_space<vmem>>
      %dma_start3A_74 = tpu.memref_slice %arg3[%mul3A_4] : memref<204800xf32, #tpu.memory_space<hbm>> -> memref<6400xf32, #tpu.memory_space<hbm>>
      tpu.enqueue_dma source(%dma_start3A_74 : memref<6400xf32, #tpu.memory_space<hbm>>) target(%dma_start3A_73 : memref<6400xf32, #tpu.memory_space<vmem>>) target_semaphore(%run_scoped3A : memref<!tpu.dma_semaphore, #tpu.memory_space<semaphore_mem>>)
      %dma_wait3A = arith.constant 0 : i32
      %dma_wait3A_75 = tpu.memref_slice %arg6[%dma_wait3A] : memref<6416xf32, #tpu.memory_space<vmem>> -> memref<6400xf32, #tpu.memory_space<vmem>>
      %dma_wait3A_76 = tpu.memref_slice %arg3[%mul3A_4] : memref<204800xf32, #tpu.memory_space<hbm>> -> memref<6400xf32, #tpu.memory_space<hbm>>
      %dma_wait3A_77 = arith.constant 0 : i32
      %dma_wait3A_78 = tpu.memref_slice %arg6[%dma_wait3A_77] : memref<6416xf32, #tpu.memory_space<vmem>> -> memref<6400xf32, #tpu.memory_space<vmem>>
      %dma_wait3A_79 = tpu.memref_slice %arg3[%mul3A_4] : memref<204800xf32, #tpu.memory_space<hbm>> -> memref<6400xf32, #tpu.memory_space<hbm>>
      tpu.wait_dma2 semaphore(%run_scoped3A : memref<!tpu.dma_semaphore, #tpu.memory_space<semaphore_mem>>) src(%dma_wait3A_79 : memref<6400xf32, #tpu.memory_space<hbm>>) dst(%dma_wait3A_78 : memref<6400xf32, #tpu.memory_space<vmem>>)
      tpu.yield
    }) : () -> ()
    %iota3A = tpu.iota {dimensions = array<i32: 0>} : vector<16xi32>
    %broadcast_in_dim3A = arith.constant 1.000000e+00 : f32
    %broadcast_in_dim3A_5 = vector.broadcast %broadcast_in_dim3A : f32 to vector<16xf32>
    %broadcast_in_dim3A_6 = arith.constant 0.000000e+00 : f32
    %broadcast_in_dim3A_7 = vector.broadcast %broadcast_in_dim3A_6 : f32 to vector<16xf32>
    %broadcast_in_dim3A_8 = arith.constant 0.000000e+00 : f32
    %broadcast_in_dim3A_9 = vector.broadcast %broadcast_in_dim3A_8 : f32 to vector<16xf32>
    %scan3A = arith.constant 0 : i32
    %scan3A_10 = arith.constant 128 : i32
    %scan3A_11 = arith.addi %scan3A, %scan3A_10 : i32
    %scan3A_12 = arith.constant 1 : i32
    %scan3A_13:3 = scf.for %scan3A_70 = %scan3A to %scan3A_11 step %scan3A_12 iter_args(%scan3A_71 = %broadcast_in_dim3A_5, %scan3A_72 = %broadcast_in_dim3A_7, %scan3A_73 = %broadcast_in_dim3A_9) -> (vector<16xf32>, vector<16xf32>, vector<16xf32>)  : i32 {
      %mul3A_74 = arith.constant 50 : i32
      %mul3A_75 = arith.muli %scan3A_70, %mul3A_74 : i32
      %scan3A_76 = arith.constant 1 : i32
      %scan3A_77 = arith.constant 49 : i32
      %scan3A_78 = arith.addi %scan3A_76, %scan3A_77 : i32
      %scan3A_79 = arith.constant 1 : i32
      %scan3A_80:2 = scf.for %scan3A_153 = %scan3A_76 to %scan3A_78 step %scan3A_79 iter_args(%scan3A_154 = %scan3A_71, %scan3A_155 = %scan3A_73) -> (vector<16xf32>, vector<16xf32>)  : i32 {
        %add3A_156 = arith.constant 0 : i32
        %add3A_157 = arith.addi %mul3A_75, %add3A_156 : i32
        %add3A_158 = arith.addi %add3A_157, %scan3A_153 : i32
        %get3A_159 = arith.index_cast %add3A_157 : i32 to index
        %get3A_160 = tpu.vector_load %arg5[%get3A_159] {strides = array<i32>} : memref<6416xf32, #tpu.memory_space<vmem>>, vector<16xf32>,
        %get3A_161 = vector.shape_cast %get3A_160 : vector<16xf32> to vector<16xf32>
        %get3A_162 = arith.index_cast %add3A_158 : i32 to index
        %get3A_163 = tpu.vector_load %arg5[%get3A_162] {strides = array<i32>} : memref<6416xf32, #tpu.memory_space<vmem>>, vector<16xf32>,
        %get3A_164 = vector.shape_cast %get3A_163 : vector<16xf32> to vector<16xf32>
        %get3A_165 = arith.index_cast %add3A_157 : i32 to index
        %get3A_166 = tpu.vector_load %arg6[%get3A_165] {strides = array<i32>} : memref<6416xf32, #tpu.memory_space<vmem>>, vector<16xf32>,
        %get3A_167 = vector.shape_cast %get3A_166 : vector<16xf32> to vector<16xf32>
        %get3A_168 = arith.index_cast %add3A_158 : i32 to index
        %get3A_169 = tpu.vector_load %arg6[%get3A_168] {strides = array<i32>} : memref<6416xf32, #tpu.memory_space<vmem>>, vector<16xf32>,
        %get3A_170 = vector.shape_cast %get3A_169 : vector<16xf32> to vector<16xf32>
        %sub3A_171 = arith.constant 50 : i32
        %sub3A_172 = arith.subi %sub3A_171, %scan3A_153 : i32
        %sub3A_173 = arith.constant 0 : i32
        %sub3A_174 = arith.subi %sub3A_172, %sub3A_173 : i32
        %lt3A_175 = vector.broadcast %sub3A_174 : i32 to vector<16xi32>
        %lt3A_176 = arith.cmpi slt, %iota3A, %lt3A_175 : vector<16xi32>
        %sub3A_177 = arith.subf %get3A_161, %get3A_164 : vector<16xf32>
        %sub3A_178 = arith.subf %get3A_167, %get3A_170 : vector<16xf32>
        %sign3A_179 = tpu.bitcast %sub3A_178 : vector<16xf32> -> vector<16xi32>
        %sign3A_180 = arith.constant -2147483648 : i32
        %sign3A_181 = vector.broadcast %sign3A_180 : i32 to vector<16xi32>
        %sign3A_182 = arith.andi %sign3A_179, %sign3A_181 : vector<16xi32>
        %sign3A_183 = arith.constant 1065353216 : i32
        %sign3A_184 = vector.broadcast %sign3A_183 : i32 to vector<16xi32>
        %sign3A_185 = arith.ori %sign3A_184, %sign3A_182 : vector<16xi32>
        %sign3A_186 = tpu.bitcast %sign3A_185 : vector<16xi32> -> vector<16xf32>
        %sign3A_187 = math.absf %sub3A_178 : vector<16xf32>
        %sign3A_188 = arith.constant 0.000000e+00 : f32
        %sign3A_189 = vector.broadcast %sign3A_188 : f32 to vector<16xf32>
        %sign3A_190 = arith.cmpf ogt, %sign3A_187, %sign3A_189 : vector<16xf32>
        %sign3A_191 = arith.select %sign3A_190, %sign3A_186, %sub3A_178 : vector<16xi1>, vector<16xf32>
        %mul3A_192 = arith.mulf %sub3A_177, %sign3A_191 : vector<16xf32>
        %abs3A_193 = math.absf %sub3A_177 : vector<16xf32>
        %neg3A_194 = arith.constant 0.000000e+00 : f32
        %neg3A_195 = vector.broadcast %neg3A_194 : f32 to vector<16xf32>
        %neg3A_196 = arith.subf %neg3A_195, %abs3A_193 : vector<16xf32>
        %exp3A_197 = math.exp %neg3A_196 : vector<16xf32>
        %add3A_198 = arith.constant 1.000000e+00 : f32
        %add3A_199 = vector.broadcast %add3A_198 : f32 to vector<16xf32>
        %add3A_200 = arith.addf %add3A_199, %exp3A_197 : vector<16xf32>
        %jit3A_201 = arith.constant 1.000000e+00 : f32
        %broadcast_in_dim3A_202 = vector.broadcast %jit3A_201 : f32 to vector<16xf32>
        %select_n3A_203 = arith.select %lt3A_176, %add3A_200, %broadcast_in_dim3A_202 : vector<16xi1>, vector<16xf32>
        %mul3A_204 = arith.mulf %scan3A_154, %select_n3A_203 : vector<16xf32>
        %neg3A_205 = arith.constant 0.000000e+00 : f32
        %neg3A_206 = vector.broadcast %neg3A_205 : f32 to vector<16xf32>
        %neg3A_207 = arith.subf %neg3A_206, %mul3A_192 : vector<16xf32>
        %max3A_208 = arith.constant 0.000000e+00 : f32
        %max3A_209 = vector.broadcast %max3A_208 : f32 to vector<16xf32>
        %max3A_210 = arith.maximumf %neg3A_207, %max3A_209 : vector<16xf32>
        %jit3A_211 = arith.constant 0.000000e+00 : f32
        %broadcast_in_dim3A_212 = vector.broadcast %jit3A_211 : f32 to vector<16xf32>
        %select_n3A_213 = arith.select %lt3A_176, %max3A_210, %broadcast_in_dim3A_212 : vector<16xi1>, vector<16xf32>
        %add3A_214 = arith.addf %scan3A_155, %select_n3A_213 : vector<16xf32>
        scf.yield %mul3A_204, %add3A_214 : vector<16xf32>, vector<16xf32>
      }
      %scan3A_81 = arith.constant 49 : i32
      %scan3A_82 = arith.constant 1 : i32
      %scan3A_83 = arith.constant 33 : i32
      %scan3A_84 = arith.addi %scan3A_82, %scan3A_83 : i32
      %scan3A_85 = arith.constant 1 : i32
      %scan3A_86:2 = scf.for %scan3A_153 = %scan3A_82 to %scan3A_84 step %scan3A_85 iter_args(%scan3A_154 = %scan3A_80#0, %scan3A_155 = %scan3A_80#1) -> (vector<16xf32>, vector<16xf32>)  : i32 {
        %add3A_156 = arith.constant 16 : i32
        %add3A_157 = arith.addi %mul3A_75, %add3A_156 : i32
        %add3A_158 = arith.addi %add3A_157, %scan3A_153 : i32
        %get3A_159 = arith.index_cast %add3A_157 : i32 to index
        %get3A_160 = tpu.vector_load %arg5[%get3A_159] {strides = array<i32>} : memref<6416xf32, #tpu.memory_space<vmem>>, vector<16xf32>,
        %get3A_161 = vector.shape_cast %get3A_160 : vector<16xf32> to vector<16xf32>
        %get3A_162 = arith.index_cast %add3A_158 : i32 to index
        %get3A_163 = tpu.vector_load %arg5[%get3A_162] {strides = array<i32>} : memref<6416xf32, #tpu.memory_space<vmem>>, vector<16xf32>,
        %get3A_164 = vector.shape_cast %get3A_163 : vector<16xf32> to vector<16xf32>
        %get3A_165 = arith.index_cast %add3A_157 : i32 to index
        %get3A_166 = tpu.vector_load %arg6[%get3A_165] {strides = array<i32>} : memref<6416xf32, #tpu.memory_space<vmem>>, vector<16xf32>,
        %get3A_167 = vector.shape_cast %get3A_166 : vector<16xf32> to vector<16xf32>
        %get3A_168 = arith.index_cast %add3A_158 : i32 to index
        %get3A_169 = tpu.vector_load %arg6[%get3A_168] {strides = array<i32>} : memref<6416xf32, #tpu.memory_space<vmem>>, vector<16xf32>,
        %get3A_170 = vector.shape_cast %get3A_169 : vector<16xf32> to vector<16xf32>
        %sub3A_171 = arith.constant 50 : i32
        %sub3A_172 = arith.subi %sub3A_171, %scan3A_153 : i32
        %sub3A_173 = arith.constant 16 : i32
        %sub3A_174 = arith.subi %sub3A_172, %sub3A_173 : i32
        %lt3A_175 = vector.broadcast %sub3A_174 : i32 to vector<16xi32>
        %lt3A_176 = arith.cmpi slt, %iota3A, %lt3A_175 : vector<16xi32>
        %sub3A_177 = arith.subf %get3A_161, %get3A_164 : vector<16xf32>
        %sub3A_178 = arith.subf %get3A_167, %get3A_170 : vector<16xf32>
        %sign3A_179 = tpu.bitcast %sub3A_178 : vector<16xf32> -> vector<16xi32>
        %sign3A_180 = arith.constant -2147483648 : i32
        %sign3A_181 = vector.broadcast %sign3A_180 : i32 to vector<16xi32>
        %sign3A_182 = arith.andi %sign3A_179, %sign3A_181 : vector<16xi32>
        %sign3A_183 = arith.constant 1065353216 : i32
        %sign3A_184 = vector.broadcast %sign3A_183 : i32 to vector<16xi32>
        %sign3A_185 = arith.ori %sign3A_184, %sign3A_182 : vector<16xi32>
        %sign3A_186 = tpu.bitcast %sign3A_185 : vector<16xi32> -> vector<16xf32>
        %sign3A_187 = math.absf %sub3A_178 : vector<16xf32>
        %sign3A_188 = arith.constant 0.000000e+00 : f32
        %sign3A_189 = vector.broadcast %sign3A_188 : f32 to vector<16xf32>
        %sign3A_190 = arith.cmpf ogt, %sign3A_187, %sign3A_189 : vector<16xf32>
        %sign3A_191 = arith.select %sign3A_190, %sign3A_186, %sub3A_178 : vector<16xi1>, vector<16xf32>
        %mul3A_192 = arith.mulf %sub3A_177, %sign3A_191 : vector<16xf32>
        %abs3A_193 = math.absf %sub3A_177 : vector<16xf32>
        %neg3A_194 = arith.constant 0.000000e+00 : f32
        %neg3A_195 = vector.broadcast %neg3A_194 : f32 to vector<16xf32>
        %neg3A_196 = arith.subf %neg3A_195, %abs3A_193 : vector<16xf32>
        %exp3A_197 = math.exp %neg3A_196 : vector<16xf32>
        %add3A_198 = arith.constant 1.000000e+00 : f32
        %add3A_199 = vector.broadcast %add3A_198 : f32 to vector<16xf32>
        %add3A_200 = arith.addf %add3A_199, %exp3A_197 : vector<16xf32>
        %jit3A_201 = arith.constant 1.000000e+00 : f32
        %broadcast_in_dim3A_202 = vector.broadcast %jit3A_201 : f32 to vector<16xf32>
        %select_n3A_203 = arith.select %lt3A_176, %add3A_200, %broadcast_in_dim3A_202 : vector<16xi1>, vector<16xf32>
        %mul3A_204 = arith.mulf %scan3A_154, %select_n3A_203 : vector<16xf32>
        %neg3A_205 = arith.constant 0.000000e+00 : f32
        %neg3A_206 = vector.broadcast %neg3A_205 : f32 to vector<16xf32>
        %neg3A_207 = arith.subf %neg3A_206, %mul3A_192 : vector<16xf32>
        %max3A_208 = arith.constant 0.000000e+00 : f32
        %max3A_209 = vector.broadcast %max3A_208 : f32 to vector<16xf32>
        %max3A_210 = arith.maximumf %neg3A_207, %max3A_209 : vector<16xf32>
        %jit3A_211 = arith.constant 0.000000e+00 : f32
        %broadcast_in_dim3A_212 = vector.broadcast %jit3A_211 : f32 to vector<16xf32>
        %select_n3A_213 = arith.select %lt3A_176, %max3A_210, %broadcast_in_dim3A_212 : vector<16xi1>, vector<16xf32>
        %add3A_214 = arith.addf %scan3A_155, %select_n3A_213 : vector<16xf32>
        scf.yield %mul3A_204, %add3A_214 : vector<16xf32>, vector<16xf32>
      }
      %scan3A_87 = arith.constant 33 : i32
      %scan3A_88 = arith.constant 1 : i32
      %scan3A_89 = arith.constant 17 : i32
      %scan3A_90 = arith.addi %scan3A_88, %scan3A_89 : i32
      %scan3A_91 = arith.constant 1 : i32
      %scan3A_92:2 = scf.for %scan3A_153 = %scan3A_88 to %scan3A_90 step %scan3A_91 iter_args(%scan3A_154 = %scan3A_86#0, %scan3A_155 = %scan3A_86#1) -> (vector<16xf32>, vector<16xf32>)  : i32 {
        %add3A_156 = arith.constant 32 : i32
        %add3A_157 = arith.addi %mul3A_75, %add3A_156 : i32
        %add3A_158 = arith.addi %add3A_157, %scan3A_153 : i32
        %get3A_159 = arith.index_cast %add3A_157 : i32 to index
        %get3A_160 = tpu.vector_load %arg5[%get3A_159] {strides = array<i32>} : memref<6416xf32, #tpu.memory_space<vmem>>, vector<16xf32>,
        %get3A_161 = vector.shape_cast %get3A_160 : vector<16xf32> to vector<16xf32>
        %get3A_162 = arith.index_cast %add3A_158 : i32 to index
        %get3A_163 = tpu.vector_load %arg5[%get3A_162] {strides = array<i32>} : memref<6416xf32, #tpu.memory_space<vmem>>, vector<16xf32>,
        %get3A_164 = vector.shape_cast %get3A_163 : vector<16xf32> to vector<16xf32>
        %get3A_165 = arith.index_cast %add3A_157 : i32 to index
        %get3A_166 = tpu.vector_load %arg6[%get3A_165] {strides = array<i32>} : memref<6416xf32, #tpu.memory_space<vmem>>, vector<16xf32>,
        %get3A_167 = vector.shape_cast %get3A_166 : vector<16xf32> to vector<16xf32>
        %get3A_168 = arith.index_cast %add3A_158 : i32 to index
        %get3A_169 = tpu.vector_load %arg6[%get3A_168] {strides = array<i32>} : memref<6416xf32, #tpu.memory_space<vmem>>, vector<16xf32>,
        %get3A_170 = vector.shape_cast %get3A_169 : vector<16xf32> to vector<16xf32>
        %sub3A_171 = arith.constant 50 : i32
        %sub3A_172 = arith.subi %sub3A_171, %scan3A_153 : i32
        %sub3A_173 = arith.constant 32 : i32
        %sub3A_174 = arith.subi %sub3A_172, %sub3A_173 : i32
        %lt3A_175 = vector.broadcast %sub3A_174 : i32 to vector<16xi32>
        %lt3A_176 = arith.cmpi slt, %iota3A, %lt3A_175 : vector<16xi32>
        %sub3A_177 = arith.subf %get3A_161, %get3A_164 : vector<16xf32>
        %sub3A_178 = arith.subf %get3A_167, %get3A_170 : vector<16xf32>
        %sign3A_179 = tpu.bitcast %sub3A_178 : vector<16xf32> -> vector<16xi32>
        %sign3A_180 = arith.constant -2147483648 : i32
        %sign3A_181 = vector.broadcast %sign3A_180 : i32 to vector<16xi32>
        %sign3A_182 = arith.andi %sign3A_179, %sign3A_181 : vector<16xi32>
        %sign3A_183 = arith.constant 1065353216 : i32
        %sign3A_184 = vector.broadcast %sign3A_183 : i32 to vector<16xi32>
        %sign3A_185 = arith.ori %sign3A_184, %sign3A_182 : vector<16xi32>
        %sign3A_186 = tpu.bitcast %sign3A_185 : vector<16xi32> -> vector<16xf32>
        %sign3A_187 = math.absf %sub3A_178 : vector<16xf32>
        %sign3A_188 = arith.constant 0.000000e+00 : f32
        %sign3A_189 = vector.broadcast %sign3A_188 : f32 to vector<16xf32>
        %sign3A_190 = arith.cmpf ogt, %sign3A_187, %sign3A_189 : vector<16xf32>
        %sign3A_191 = arith.select %sign3A_190, %sign3A_186, %sub3A_178 : vector<16xi1>, vector<16xf32>
        %mul3A_192 = arith.mulf %sub3A_177, %sign3A_191 : vector<16xf32>
        %abs3A_193 = math.absf %sub3A_177 : vector<16xf32>
        %neg3A_194 = arith.constant 0.000000e+00 : f32
        %neg3A_195 = vector.broadcast %neg3A_194 : f32 to vector<16xf32>
        %neg3A_196 = arith.subf %neg3A_195, %abs3A_193 : vector<16xf32>
        %exp3A_197 = math.exp %neg3A_196 : vector<16xf32>
        %add3A_198 = arith.constant 1.000000e+00 : f32
        %add3A_199 = vector.broadcast %add3A_198 : f32 to vector<16xf32>
        %add3A_200 = arith.addf %add3A_199, %exp3A_197 : vector<16xf32>
        %jit3A_201 = arith.constant 1.000000e+00 : f32
        %broadcast_in_dim3A_202 = vector.broadcast %jit3A_201 : f32 to vector<16xf32>
        %select_n3A_203 = arith.select %lt3A_176, %add3A_200, %broadcast_in_dim3A_202 : vector<16xi1>, vector<16xf32>
        %mul3A_204 = arith.mulf %scan3A_154, %select_n3A_203 : vector<16xf32>
        %neg3A_205 = arith.constant 0.000000e+00 : f32
        %neg3A_206 = vector.broadcast %neg3A_205 : f32 to vector<16xf32>
        %neg3A_207 = arith.subf %neg3A_206, %mul3A_192 : vector<16xf32>
        %max3A_208 = arith.constant 0.000000e+00 : f32
        %max3A_209 = vector.broadcast %max3A_208 : f32 to vector<16xf32>
        %max3A_210 = arith.maximumf %neg3A_207, %max3A_209 : vector<16xf32>
        %jit3A_211 = arith.constant 0.000000e+00 : f32
        %broadcast_in_dim3A_212 = vector.broadcast %jit3A_211 : f32 to vector<16xf32>
        %select_n3A_213 = arith.select %lt3A_176, %max3A_210, %broadcast_in_dim3A_212 : vector<16xi1>, vector<16xf32>
        %add3A_214 = arith.addf %scan3A_155, %select_n3A_213 : vector<16xf32>
        scf.yield %mul3A_204, %add3A_214 : vector<16xf32>, vector<16xf32>
      }
      %scan3A_93 = arith.constant 17 : i32
      %add3A_94 = arith.constant 48 : i32
      %add3A_95 = arith.addi %mul3A_75, %add3A_94 : i32
      %add3A_96 = arith.constant 1 : i32
      %add3A_97 = arith.addi %add3A_95, %add3A_96 : i32
      %get3A = arith.index_cast %add3A_95 : i32 to index
      %get3A_98 = tpu.vector_load %arg5[%get3A] {strides = array<i32>} : memref<6416xf32, #tpu.memory_space<vmem>>, vector<16xf32>,
      %get3A_99 = vector.shape_cast %get3A_98 : vector<16xf32> to vector<16xf32>
      %get3A_100 = arith.index_cast %add3A_97 : i32 to index
      %get3A_101 = tpu.vector_load %arg5[%get3A_100] {strides = array<i32>} : memref<6416xf32, #tpu.memory_space<vmem>>, vector<16xf32>,
      %get3A_102 = vector.shape_cast %get3A_101 : vector<16xf32> to vector<16xf32>
      %get3A_103 = arith.index_cast %add3A_95 : i32 to index
      %get3A_104 = tpu.vector_load %arg6[%get3A_103] {strides = array<i32>} : memref<6416xf32, #tpu.memory_space<vmem>>, vector<16xf32>,
      %get3A_105 = vector.shape_cast %get3A_104 : vector<16xf32> to vector<16xf32>
      %get3A_106 = arith.index_cast %add3A_97 : i32 to index
      %get3A_107 = tpu.vector_load %arg6[%get3A_106] {strides = array<i32>} : memref<6416xf32, #tpu.memory_space<vmem>>, vector<16xf32>,
      %get3A_108 = vector.shape_cast %get3A_107 : vector<16xf32> to vector<16xf32>
      %lt3A = arith.constant 1 : i32
      %lt3A_109 = vector.broadcast %lt3A : i32 to vector<16xi32>
      %lt3A_110 = arith.cmpi slt, %iota3A, %lt3A_109 : vector<16xi32>
      %sub3A_111 = arith.subf %get3A_99, %get3A_102 : vector<16xf32>
      %sub3A_112 = arith.subf %get3A_105, %get3A_108 : vector<16xf32>
      %sign3A = tpu.bitcast %sub3A_112 : vector<16xf32> -> vector<16xi32>
      %sign3A_113 = arith.constant -2147483648 : i32
      %sign3A_114 = vector.broadcast %sign3A_113 : i32 to vector<16xi32>
      %sign3A_115 = arith.andi %sign3A, %sign3A_114 : vector<16xi32>
      %sign3A_116 = arith.constant 1065353216 : i32
      %sign3A_117 = vector.broadcast %sign3A_116 : i32 to vector<16xi32>
      %sign3A_118 = arith.ori %sign3A_117, %sign3A_115 : vector<16xi32>
      %sign3A_119 = tpu.bitcast %sign3A_118 : vector<16xi32> -> vector<16xf32>
      %sign3A_120 = math.absf %sub3A_112 : vector<16xf32>
      %sign3A_121 = arith.constant 0.000000e+00 : f32
      %sign3A_122 = vector.broadcast %sign3A_121 : f32 to vector<16xf32>
      %sign3A_123 = arith.cmpf ogt, %sign3A_120, %sign3A_122 : vector<16xf32>
      %sign3A_124 = arith.select %sign3A_123, %sign3A_119, %sub3A_112 : vector<16xi1>, vector<16xf32>
      %mul3A_125 = arith.mulf %sub3A_111, %sign3A_124 : vector<16xf32>
      %abs3A = math.absf %sub3A_111 : vector<16xf32>
      %neg3A = arith.constant 0.000000e+00 : f32
      %neg3A_126 = vector.broadcast %neg3A : f32 to vector<16xf32>
      %neg3A_127 = arith.subf %neg3A_126, %abs3A : vector<16xf32>
      %exp3A = math.exp %neg3A_127 : vector<16xf32>
      %add3A_128 = arith.constant 1.000000e+00 : f32
      %add3A_129 = vector.broadcast %add3A_128 : f32 to vector<16xf32>
      %add3A_130 = arith.addf %add3A_129, %exp3A : vector<16xf32>
      %jit3A = arith.constant 1.000000e+00 : f32
      %broadcast_in_dim3A_131 = vector.broadcast %jit3A : f32 to vector<16xf32>
      %select_n3A = arith.select %lt3A_110, %add3A_130, %broadcast_in_dim3A_131 : vector<16xi1>, vector<16xf32>
      %mul3A_132 = arith.mulf %scan3A_92#0, %select_n3A : vector<16xf32>
      %neg3A_133 = arith.constant 0.000000e+00 : f32
      %neg3A_134 = vector.broadcast %neg3A_133 : f32 to vector<16xf32>
      %neg3A_135 = arith.subf %neg3A_134, %mul3A_125 : vector<16xf32>
      %max3A = arith.constant 0.000000e+00 : f32
      %max3A_136 = vector.broadcast %max3A : f32 to vector<16xf32>
      %max3A_137 = arith.maximumf %neg3A_135, %max3A_136 : vector<16xf32>
      %jit3A_138 = arith.constant 0.000000e+00 : f32
      %broadcast_in_dim3A_139 = vector.broadcast %jit3A_138 : f32 to vector<16xf32>
      %select_n3A_140 = arith.select %lt3A_110, %max3A_137, %broadcast_in_dim3A_139 : vector<16xi1>, vector<16xf32>
      %add3A_141 = arith.addf %scan3A_92#1, %select_n3A_140 : vector<16xf32>
      %bitcast_convert_type3A = tpu.bitcast %mul3A_132 : vector<16xf32> -> vector<16xi32>
      %shift_right_logical3A = arith.constant 23 : i32
      %shift_right_logical3A_142 = vector.broadcast %shift_right_logical3A : i32 to vector<16xi32>
      %shift_right_logical3A_143 = arith.shrui %bitcast_convert_type3A, %shift_right_logical3A_142 : vector<16xi32>
      %sub3A_144 = arith.constant 127 : i32
      %sub3A_145 = vector.broadcast %sub3A_144 : i32 to vector<16xi32>
      %sub3A_146 = arith.subi %shift_right_logical3A_143, %sub3A_145 : vector<16xi32>
      %convert_element_type3A = arith.sitofp %sub3A_146 : vector<16xi32> to vector<16xf32>
      %add3A_147 = arith.addf %scan3A_72, %convert_element_type3A : vector<16xf32>
      %and3A = arith.constant 8388607 : i32
      %and3A_148 = vector.broadcast %and3A : i32 to vector<16xi32>
      %and3A_149 = arith.andi %bitcast_convert_type3A, %and3A_148 : vector<16xi32>
      %or3A = arith.constant 1065353216 : i32
      %or3A_150 = vector.broadcast %or3A : i32 to vector<16xi32>
      %or3A_151 = arith.ori %and3A_149, %or3A_150 : vector<16xi32>
      %bitcast_convert_type3A_152 = tpu.bitcast %or3A_151 : vector<16xi32> -> vector<16xf32>
      scf.yield %bitcast_convert_type3A_152, %add3A_147, %add3A_141 : vector<16xf32>, vector<16xf32>, vector<16xf32>
    }
    %scan3A_14 = arith.constant 128 : i32
    %sub3A = arith.constant 1.000000e+00 : f32
    %sub3A_15 = vector.broadcast %sub3A : f32 to vector<16xf32>
    %sub3A_16 = arith.subf %scan3A_13#0, %sub3A_15 : vector<16xf32>
    %broadcast_in_dim3A_17 = arith.constant 0.000000e+00 : f32
    %broadcast_in_dim3A_18 = vector.broadcast %broadcast_in_dim3A_17 : f32 to vector<16xf32>
    %add3A_19 = arith.constant -0.00330134179 : f32
    %add3A_20 = vector.broadcast %add3A_19 : f32 to vector<16xf32>
    %add3A_21 = arith.addf %broadcast_in_dim3A_18, %add3A_20 : vector<16xf32>
    %mul3A_22 = arith.mulf %add3A_21, %sub3A_16 : vector<16xf32>
    %add3A_23 = arith.constant 0.0218525305 : f32
    %add3A_24 = vector.broadcast %add3A_23 : f32 to vector<16xf32>
    %add3A_25 = arith.addf %mul3A_22, %add3A_24 : vector<16xf32>
    %mul3A_26 = arith.mulf %add3A_25, %sub3A_16 : vector<16xf32>
    %add3A_27 = arith.constant -0.0680055767 : f32
    %add3A_28 = vector.broadcast %add3A_27 : f32 to vector<16xf32>
    %add3A_29 = arith.addf %mul3A_26, %add3A_28 : vector<16xf32>
    %mul3A_30 = arith.mulf %add3A_29, %sub3A_16 : vector<16xf32>
    %add3A_31 = arith.constant 1.366380e-01 : f32
    %add3A_32 = vector.broadcast %add3A_31 : f32 to vector<16xf32>
    %add3A_33 = arith.addf %mul3A_30, %add3A_32 : vector<16xf32>
    %mul3A_34 = arith.mulf %add3A_33, %sub3A_16 : vector<16xf32>
    %add3A_35 = arith.constant -0.209453583 : f32
    %add3A_36 = vector.broadcast %add3A_35 : f32 to vector<16xf32>
    %add3A_37 = arith.addf %mul3A_34, %add3A_36 : vector<16xf32>
    %mul3A_38 = arith.mulf %add3A_37, %sub3A_16 : vector<16xf32>
    %add3A_39 = arith.constant 0.278987676 : f32
    %add3A_40 = vector.broadcast %add3A_39 : f32 to vector<16xf32>
    %add3A_41 = arith.addf %mul3A_38, %add3A_40 : vector<16xf32>
    %mul3A_42 = arith.mulf %add3A_41, %sub3A_16 : vector<16xf32>
    %add3A_43 = arith.constant -0.358739525 : f32
    %add3A_44 = vector.broadcast %add3A_43 : f32 to vector<16xf32>
    %add3A_45 = arith.addf %mul3A_42, %add3A_44 : vector<16xf32>
    %mul3A_46 = arith.mulf %add3A_45, %sub3A_16 : vector<16xf32>
    %add3A_47 = arith.constant 0.480658591 : f32
    %add3A_48 = vector.broadcast %add3A_47 : f32 to vector<16xf32>
    %add3A_49 = arith.addf %mul3A_46, %add3A_48 : vector<16xf32>
    %mul3A_50 = arith.mulf %add3A_49, %sub3A_16 : vector<16xf32>
    %add3A_51 = arith.constant -0.721331358 : f32
    %add3A_52 = vector.broadcast %add3A_51 : f32 to vector<16xf32>
    %add3A_53 = arith.addf %mul3A_50, %add3A_52 : vector<16xf32>
    %mul3A_54 = arith.mulf %add3A_53, %sub3A_16 : vector<16xf32>
    %add3A_55 = arith.constant 1.44269454 : f32
    %add3A_56 = vector.broadcast %add3A_55 : f32 to vector<16xf32>
    %add3A_57 = arith.addf %mul3A_54, %add3A_56 : vector<16xf32>
    %mul3A_58 = arith.mulf %add3A_57, %sub3A_16 : vector<16xf32>
    %add3A_59 = arith.constant 3.44445961E-9 : f32
    %add3A_60 = vector.broadcast %add3A_59 : f32 to vector<16xf32>
    %add3A_61 = arith.addf %mul3A_58, %add3A_60 : vector<16xf32>
    %add3A_62 = arith.addf %scan3A_13#1, %add3A_61 : vector<16xf32>
    %mul3A_63 = arith.constant 0.693147182 : f32
    %mul3A_64 = vector.broadcast %mul3A_63 : f32 to vector<16xf32>
    %mul3A_65 = arith.mulf %add3A_62, %mul3A_64 : vector<16xf32>
    %add3A_66 = arith.addf %mul3A_65, %scan3A_13#2 : vector<16xf32>
    %swap3A = arith.constant 0 : index
    %swap3A_67 = tpu.vector_load %arg7[%swap3A] {strides = array<i32>} : memref<16xf32, #tpu.memory_space<vmem>>, vector<16xf32>,
    %swap3A_68 = vector.shape_cast %swap3A_67 : vector<16xf32> to vector<16xf32>
    %swap3A_69 = vector.shape_cast %add3A_66 : vector<16xf32> to vector<16xf32>
    tpu.vector_store %arg7[%swap3A], %swap3A_69 {strides = array<i32>} : memref<16xf32, #tpu.memory_space<vmem>>, vector<16xf32>,
    "tpu.region"() ({
      %run_scoped3A = tpu.sem_alloc : memref<!tpu.dma_semaphore, #tpu.memory_space<semaphore_mem>>
      %dma_start3A = arith.constant 0 : i32
      %dma_start3A_70 = tpu.memref_slice %arg4[%add3A, %dma_start3A] : memref<32x16xf32, #tpu.memory_space<hbm>> -> memref<1x16xf32, #tpu.memory_space<hbm>>
      %dma_start3A_71 = tpu.memref_squeeze %dma_start3A_70 : memref<1x16xf32, #tpu.memory_space<hbm>> -> memref<16xf32, #tpu.memory_space<hbm>>
      %dma_start3A_72 = arith.constant 0 : i32
      %dma_start3A_73 = tpu.memref_slice %arg4[%add3A, %dma_start3A_72] : memref<32x16xf32, #tpu.memory_space<hbm>> -> memref<1x16xf32, #tpu.memory_space<hbm>>
      %dma_start3A_74 = tpu.memref_squeeze %dma_start3A_73 : memref<1x16xf32, #tpu.memory_space<hbm>> -> memref<16xf32, #tpu.memory_space<hbm>>
      tpu.enqueue_dma source(%arg7 : memref<16xf32, #tpu.memory_space<vmem>>) target(%dma_start3A_74 : memref<16xf32, #tpu.memory_space<hbm>>) target_semaphore(%run_scoped3A : memref<!tpu.dma_semaphore, #tpu.memory_space<semaphore_mem>>)
      %dma_wait3A = arith.constant 0 : i32
      %dma_wait3A_75 = tpu.memref_slice %arg4[%add3A, %dma_wait3A] : memref<32x16xf32, #tpu.memory_space<hbm>> -> memref<1x16xf32, #tpu.memory_space<hbm>>
      %dma_wait3A_76 = tpu.memref_squeeze %dma_wait3A_75 : memref<1x16xf32, #tpu.memory_space<hbm>> -> memref<16xf32, #tpu.memory_space<hbm>>
      %dma_wait3A_77 = arith.constant 0 : i32
      %dma_wait3A_78 = tpu.memref_slice %arg4[%add3A, %dma_wait3A_77] : memref<32x16xf32, #tpu.memory_space<hbm>> -> memref<1x16xf32, #tpu.memory_space<hbm>>
      %dma_wait3A_79 = tpu.memref_squeeze %dma_wait3A_78 : memref<1x16xf32, #tpu.memory_space<hbm>> -> memref<16xf32, #tpu.memory_space<hbm>>
      tpu.wait_dma2 semaphore(%run_scoped3A : memref<!tpu.dma_semaphore, #tpu.memory_space<semaphore_mem>>) src(%arg7 : memref<16xf32, #tpu.memory_space<vmem>>) dst(%dma_wait3A_79 : memref<16xf32, #tpu.memory_space<hbm>>)
      tpu.yield
    }) : () -> ()
    return
  }
}

</mosaic_0001>

<sc_bundles>
// kernel: kernel.3.cloned.1.call-start
scs
__scs_entry_jumppad:
0x0: {  	(pc) =	sbr.rel $0x88, $3  }
0x1: {  	(tag) =	ssettag $0x0;
	lr =	simm.s32 $0x1  }
0x2: {  	[smem:$0x3F9F] =	sst lr;
	_ =	strace $0xD0000000  }
0x3: {  	_ = 	snop  }
0x4: {  	_ = 	snop  }
0x5: {  	_ = 	snop  }
0x6: {  	_ = 	snop  }
0x7: {  	_ = 	snop  }
__scs_overlays_trampoline_lowered:
0x8: {  	[smem:$0x3FAE] =	sst s0  }
0x9: {  	[smem:$0x3FAF] =	sst s1  }
0xa: {  	[smem:$0x3FB0] =	sst s2  }
0xb: {  	[smem:$0x3FB1] =	sst s3  }
0xc: {  	[smem:$0x3FB2] =	sst s4  }
0xd: {  	[smem:$0x3FB3] =	sst s5  }
0xe: {  	[smem:$0x3FB4] =	sst s6  }
0xf: {  	[smem:$0x3FB5] =	sst s7  }
0x10: {  	[smem:$0x3FB6] =	sst s8  }
0x11: {  	[smem:$0x3FB7] =	sst s9;
	s0 =	simm.s32 @!p0 $0x0  }
0x12: {  	s1 =	sld [smem:$0x3F9D];
	s0 =	simm.s32 @p0 $0x1  }
0x13: {  	[smem:$0x3FB8] =	sst s0;
	s0 =	simm.s32 @!p1 $0x0  }
0x14: {  	s2 =	sld [smem:$0x3F9C];
	s0 =	simm.s32 @p1 $0x1  }
0x15: {  	[smem:$0x3FB9] =	sst s0;
	s0 =	simm.s32 @!p2 $0x0  }
0x16: {  	s3 =	sld [smem:$0x3FDB];
	s0 =	simm.s32 @p2 $0x1  }
0x17: {  	s4 =	simm.s32 $0x1BF5;
	[smem:$0x3FBB] =	sst s0  }
0x18: {  	s0 =	sld [smem:$0x3F9E];
	_ =	swait.ge [sflag:s4], $0x0  }
0x19: {  	s7 =	sld [smem:$0x3F9F]  }
0x1a: {  	s8 =	sadd.s32 $0xFFFFE003, lr  }
0x1b: {  	s9 =	sadd.s32 $0xFFFFFEF7, lr;
	s5 =	simm.s32 $0xFFFFFFFF;
	p2 =	slt.u32 s8, $0xFFFFF086  }
0x1c: {  	p1 =	slt.u32 s9, $0xF7A;
	s5 =	simm.s32 @!p2 $0x0  }
0x1d: {  	s5 =	simm.s32 @p1 $0x1;
	p0 =	seq.s32 s7, s2  }
0x1e: {  	s7 =	smul.u32 @!p0 $0xF7A, s2;
	p2 =	seq.s32 @!p0 s5, $0x0  }
0x1f: {  	s9 =	smul.u32 $0xF7A, s1;
	s8 =	simm.s32 @!p0 $0x1BF5;
	p2 =	por !p2, p0  }
0x20: {  	[sflag:s8] =	ssyncset.s32 @!p0 $0xFFFFF086;
	s6 =	sadd.s32 @!p0 s3, s7;
	s7 =	simm.s32 @!p0 $0x108  }
0x21: {  	s3 =	sadd.s32 s3, s9;
	s6 =	sadd.s32 @!p0 $0x88, s6;
	s7 =	simm.s32 @p2 $0x1082  }
0x22: {  	[simem:s7], [sflag:s8] =	dma.local @!p0 [hbm:s6], $0xF7A  }
0x23: {  	s9 =	sor.u32 $0xD0000000, s2;
	s6 =	simm.s32 $0x108;
	_ =	swait.ge @!p0 [sflag:s8], $0x0  }
0x24: {  	s3 =	sadd.s32 $0x88, s3;
	s6 =	simm.s32 @!p1 $0x1082;
	[sflag:s4] =	ssyncset.s32 $0xFFFFF086  }
0x25: {  	[simem:s6], [sflag:s4] =	dma.local [hbm:s3], $0xF7A  }
0x26: {  	[smem:$0x3F9F] =	sst s1;
	(tag) =	ssettag s2;
	_ =	strace s9  }
0x27: {  	s1 =	sld [smem:$0x3FAF]  }
0x28: {  	s2 =	sld [smem:$0x3FB0]  }
0x29: {  	s4 =	sld [smem:$0x3FB2]  }
0x2a: {  	p0 =	seq.s32 s5, $0x0;
	s5 =	sld [smem:$0x3FB3]  }
0x2b: {  	s6 =	sld [smem:$0x3FB4]  }
0x2c: {  	s7 =	sld [smem:$0x3FB5]  }
0x2d: {  	s3 =	simm.s32 $0x108;
	s8 =	sld [smem:$0x3FB6]  }
0x2e: {  	s3 =	simm.s32 @!p0 $0x1082;
	s9 =	sld [smem:$0x3FB7]  }
0x2f: {  	lr =	sadd.s32 s0, s3;
	s0 =	sld [smem:$0x3FAE]  }
0x30: {  	s3 =	sld [smem:$0x3FB1]  }
0x31: {  	[smem:$0x3FBA] =	sst s10  }
0x32: {  	s10 =	sld [smem:$0x3FB8];
	_ =	sdelay $0x3  }
0x33: {  	p0 =	seq.s32 s10, $0x1;
	s10 =	sld [smem:$0x3FBA];
	_ =	sdelay $0x3  }
0x34: {  	[smem:$0x3FBA] =	sst s10  }
0x35: {  	s10 =	sld [smem:$0x3FB9];
	_ =	sdelay $0x3  }
0x36: {  	p1 =	seq.s32 s10, $0x1;
	s10 =	sld [smem:$0x3FBA];
	_ =	sdelay $0x3  }
0x37: {  	[smem:$0x3FBA] =	sst s10  }
0x38: {  	s10 =	sld [smem:$0x3FBB]  }
0x39: {  	_ = 	snop;
	(pc) =	sbr.ind lr, $3  }
0x3a: {  	_ = 	snop  }
0x3b: {  	_ = 	snop  }
0x3c: {  	p2 =	seq.s32 s10, $0x1;
	s10 =	sld [smem:$0x3FBA]  }
0x3d: {  	_ =	shalt  }
0x3e: {  	_ =	shalt  }
0x3f: {  	_ =	shalt  }
0x40: {  	_ =	shalt  }
0x41: {  	_ =	shalt  }
0x42: {  	_ =	shalt  }
0x43: {  	_ =	shalt  }
0x44: {  	_ =	shalt  }
0x45: {  	_ =	shalt  }
0x46: {  	_ =	shalt  }
0x47: {  	_ =	shalt  }
0x48: {  	_ =	shalt  }
0x49: {  	_ =	shalt  }
0x4a: {  	_ =	shalt  }
0x4b: {  	_ =	shalt  }
0x4c: {  	_ =	shalt  }
0x4d: {  	_ =	shalt  }
0x4e: {  	_ =	shalt  }
0x4f: {  	_ =	shalt  }
0x50: {  	_ =	shalt  }
0x51: {  	_ =	shalt  }
0x52: {  	_ =	shalt  }
0x53: {  	_ =	shalt  }
0x54: {  	_ =	shalt  }
0x55: {  	_ =	shalt  }
0x56: {  	_ =	shalt  }
0x57: {  	_ =	shalt  }
0x58: {  	_ =	shalt  }
0x59: {  	_ =	shalt  }
0x5a: {  	_ =	shalt  }
0x5b: {  	_ =	shalt  }
0x5c: {  	_ =	shalt  }
0x5d: {  	_ =	shalt  }
0x5e: {  	_ =	shalt  }
0x5f: {  	_ =	shalt  }
0x60: {  	_ =	shalt  }
0x61: {  	_ =	shalt  }
0x62: {  	_ =	shalt  }
0x63: {  	_ =	shalt  }
0x64: {  	_ =	shalt  }
0x65: {  	_ =	shalt  }
0x66: {  	_ =	shalt  }
0x67: {  	_ =	shalt  }
0x68: {  	_ =	shalt  }
0x69: {  	_ =	shalt  }
0x6a: {  	_ =	shalt  }
0x6b: {  	_ =	shalt  }
0x6c: {  	_ =	shalt  }
0x6d: {  	_ =	shalt  }
0x6e: {  	_ =	shalt  }
0x6f: {  	_ =	shalt  }
0x70: {  	_ =	shalt  }
0x71: {  	_ =	shalt  }
0x72: {  	_ =	shalt  }
0x73: {  	_ =	shalt  }
0x74: {  	_ =	shalt  }
0x75: {  	_ =	shalt  }
0x76: {  	_ =	shalt  }
0x77: {  	_ =	shalt  }
0x78: {  	_ =	shalt  }
0x79: {  	_ =	shalt  }
0x7a: {  	_ =	shalt  }
0x7b: {  	_ =	shalt  }
0x7c: {  	_ =	shalt  }
0x7d: {  	_ =	shalt  }
0x7e: {  	_ =	shalt  }
0x7f: {  	_ =	shalt  }
0x80: {  	_ =	shalt  }
0x81: {  	_ =	shalt  }
0x82: {  	_ =	shalt  }
0x83: {  	_ =	shalt  }
0x84: {  	_ =	shalt  }
0x85: {  	_ =	shalt  }
0x86: {  	_ =	shalt  }
0x87: {  	_ =	shalt  }
.Lfunc_end0:
.L_simem_size_0:
called_computation_lowered:
.L_overlay_start_0:
0x88: {  	s2 =	sld [smem:$0x3FD9]  }
0x89: {  	s3 =	sld [smem:$0x3FFE];
	_ =	sdelay $0x1  }
0x8a: {  	s1 =	srdreg.scid  }
0x8b: {  	s0 =	sand.u32 $0x1, s1  }
0x8c: {  	s16 =	sshll.u32 s0, $0xA;
	s2 =	sadd.s32 s3, s2  }
0x8d: {  	s2 =	sadd.s32 s2, s16  }
0x8e: {  	[smem:$0x3FC6] =	sst s2  }
0x8f: {  	_ = 	snop  }
0x90: {  	(tm) =	ssettm $0x1  }
0x91: {  	s17 =	sld [smem:$0x3FFB];
	_ =	sdelay $0x3  }
0x92: {  	_ =	strace s17  }
0x93: {  	s2 =	sld [smem:$0x3FFC];
	_ =	sdelay $0x3  }
0x94: {  	_ =	strace s2  }
0x95: {  	s2 =	sld [smem:$0x3FFD];
	_ =	sdelay $0x3  }
0x96: {  	_ =	strace s2  }
0x97: {  	_ =	strace $0x8FFFFFFF  }
0x98: {  	s18 =	sld [smem:$0x3FDB];
	_ =	sdelay $0x1  }
0x99: {  	s19 =	simm.s32 $_scs_section_size  }
0x9a: {  	s4 =	simm.s32 $_size__tile_overlayer_lowered;
	s5 =	simm.s32 $_tile_overlayer_lowered  }
0x9b: {  	s22 =	simm.s32 $0x1BFF;
	s21 =	sshll.u32 s5, $0x1;
	s2 =	sadd.s32 s19, s18  }
0x9c: {  	s6 =	simm.s32 $0x0;
	s20 =	sshll.u32 s4, $0x1;
	s4 =	sadd.s32 s21, s2  }
0x9d: {  	[timem:s6], [sflag:s22] =	dma.local [hbm:s4], s20  }
0x9e: {  	_ =	swait.ge [sflag:s22], s20  }
0x9f: {  	s3 =	ssub.s32 $0x0, s20;
	[sflag:s22] =	ssyncset.done $0x0  }
0xa0: {  	[sflag:s22] =	ssyncadd.s32 s3;
	_ =	sdelay $0x1  }
0xa1: {  	s23 =	simm.s32 $0x1B8B  }
0xa2: {  	_ =	swait.ge [sflag:s23], $0x1  }
0xa3: {  	[sflag:s23] =	ssyncset.done $0x0  }
0xa4: {  	s25 =	simm.s32 $0x1B8E;
	s24 =	sld [smem:$0x3FFE];
	[sflag:s23] =	ssyncadd.s32 $0xFFFFFFFF  }
0xa5: {  	s26 =	simm.s32 $execute0_lowered;
	[smem:$0x3FD2] =	sst s25  }
0xa6: {  	s4 =	sshll.u32 s26, $0x1;
	_ =	strace $0x80000046;
	[dreg:$0x1] =	wrdreg $0xFFFFFFFF  }
0xa7: {  	s28 =	simm.s32 $_size_execute0_lowered;
	s2 =	sadd.s32 s2, s4;
	[dreg:$0x0] =	wrdreg $0x0  }
0xa8: {  	s4 =	sshll.u32 s28, $0x1;
	[dreg:$0x2] =	wrdreg s2  }
0xa9: {  	[dreg:$0x3] =	wrdreg s4  }
0xaa: {  	[dreg:$0x4] =	wrdreg $0xC0  }
0xab: {  	_ =	task [dreg:s6], $0x5FFFF  }
0xac: {  	[dreg:$0x1] =	wrdreg $0xFFFFFFFF  }
0xad: {  	[dreg:$0x0] =	wrdreg $0x60  }
0xae: {  	[dreg:$0x2] =	wrdreg s24  }
0xaf: {  	[dreg:$0x3] =	wrdreg $0x9  }
0xb0: {  	_ =	task.clear_ibuf [dreg:s6], $0x4FFFF;
	_ =	strace $0x90000046  }
0xb1: {  	s29 =	simm.s32 $0x9;
	_ =	strace $0x80000048  }
0xb2: {  	_ =	swait.ge [sflag:s29], $0x1  }
0xb3: {  	[sflag:s29] =	ssyncadd.s32 $0xFFFFFFFF  }
0xb4: {  	_ =	strace $0x90000048  }
0xb5: {  	_ =	sfence  }
0xb6: {  	s30 =	sld [smem:$0x0];
	_ =	sdelay $0x2  }
0xb7: {  	s31 =	sshll.u32 s1, $0xD;
	s1 =	sshrl.u32 s1, $0x2  }
0xb8: {  	s3 =	sand.u32 $0x4000, s31;
	s1 =	sadd.s32 s1, s30  }
0xb9: {  	s0 =	sor.u32 s3, s0;
	s1 =	sshll.u32 s1, $0x11  }
0xba: {  	s0 =	sor.u32 s1, s0  }
0xbb: {  	s0 =	sadd.s32 $0x8F2B, s0  }
0xbc: {  	[sflag:s0] =	ssyncadd.remote.s32 $0x1  }
0xbd: {  	_ =	sfence.sel $0xFFFF  }
0xbe: {  	[dreg:$0x0] =	wrdreg $0xFFFFFFFF;
	(pc) =	sbr.abs _section_cstart, $3  }
0xbf: {  	[dreg:$0x1] =	wrdreg $0xFFFFFFFF  }
0xc0: {  	_ =	task.clear_ibuf [dreg:s6], $0x2FFFF;
	_ =	strace $0x9FFFFFFF  }
0xc1: {  	(tm) =	ssettm $0x7FFFFFFF  }
tec
execute0_lowered:
.L_overlay_start_1:
0x0: {  	(tag) =	ssettag $0x1  }
0x1: {  	s1 =	srdreg.scid  }
0x2: {  	s0 =	stileid.u32;
	s3 =	rddreg [dreg:$0x0];
	s2 =	simm.s32 $0x0  }
0x3: {  	s8 =	simm.s32 $0x3300;
	s4 =	sand.u32 $0x1, s1;
	s5 =	sshll.u32 s0, $0x1  }
0x4: {  	s9 =	simm.s32 $0x1;
	s1 =	rddreg [dreg:$0x1];
	s5 =	sor.u32 s4, s5  }
0x5: {  	s10 =	simm.s32 $0x0;
	[smem:$0x7FF] =	sst s2;
	s6 =	smul.u32 $0x320, s5  }
0x6: {  	_ =	strace $0x80000047;
	s4 =	ssub.s32 $0x2, s4;
	s5 =	sshll.u32 s5, $0x4  }
0x7: {  	s31 =	sshrl.u32 s4, $0x1;
	s5 =	sadd.s32 s5, s3;
	s6 =	sadd.s32 s6, s3  }
0x8: {  	v1 =	vimm.f32 $1.000000000e+00;
	s7 =	ssub.s32 s4, s31;
	s5 =	sadd.s32 $0xCA00, s5;
	s3 =	sadd.s32 $0x200, s6  }
0x9: {  	v0 =	vlaneseq.u32;
	vm0 =	vmmov $0x1;
	v1 =	vand.u32 $0x7FFFFFFF, v1;
	s4 =	sadd.s32 $0x6600, s6;
	s6 =	smax.u32 s7, $0x1;
	s7 =	simm.s32 $0x1980  }
.LBB2_1:
0xa: {  	[tilespmem:s2], [sflag:$0x1] =	stream.linear.gather [hbm4b:s3+s2], $0x1900, $0x38;
	[tilespmem:$0x3380] =	vst v63  }
0xb: {  	_ =	swait.ge [sflag:s9], $0x1900  }
0xc: {  	[sflag:s9] =	ssyncset.done $0x0  }
0xd: {  	s11 =	simm.s32 $0x1981;
	[sflag:s9] =	ssyncadd.s32 $0xFFFFE700  }
0xe: {  	[tilespmem:s7], [sflag:$0x1] =	stream.linear.gather [hbm4b:s4+s2], $0x1900, $0x38;
	[tilespmem:$0x3380] =	vst v63  }
0xf: {  	s12 =	simm.s32 $0x11;
	s13 =	simm.s32 $0x1991;
	_ =	swait.ge [sflag:s9], $0x1900  }
0x10: {  	s14 =	simm.s32 $0x21;
	s15 =	simm.s32 $0x19A1;
	[sflag:s9] =	ssyncset.done $0x0  }
0x11: {  	v3 =	vimm.f32 $0.0e+00;
	s16 =	simm.s32 $0x1;
	v2 =	vimm.f32 $0.0e+00;
	v4 =	vimm.f32 $1.000000000e+00;
	s17 =	simm.s32 $0x0;
	[sflag:s9] =	ssyncadd.s32 $0xFFFFE700  }
.LBB2_2:
0x12: {  	s18 =	smul.u32 $0x32, s17  }
0x13: {  	v7 =	vld [tilespmem:s16+$0x0]  }
0x14: {  	v5 =	vld [tilespmem:s18+$0x0];
	_ =	sdelay $0x2  }
0x15: {  	s20 =	sadd.s32 $0x1, s16  }
0x16: {  	v8 =	vld [tilespmem:s20+$0x0]  }
0x17: {  	v11 =	vsub.f32 v5, v7;
	_ =	sdelay $0x1  }
0x18: {  	v9 =	vld [tilespmem:s11+$0x0];
	v7 =	vand.u32 $0x7FFFFFFF, v11  }
0x19: {  	s21 =	sadd.s32 $0x1, s11;
	v6 =	vld [tilespmem:s18+$0x1980];
	v7 =	vsub.f32 $0.0e+00, v7  }
0x1a: {  	v10 =	vld [tilespmem:s21+$0x0];
	s20 =	sadd.s32 $0x1, s20;
	v8 =	vsub.f32 v5, v8  }
0x1b: {  	v12 =	vld [tilespmem:s20+$0x0];
	v7 =	vmul.f32 $1.442695020e+00, v7  }
0x1c: {  	v13 =	vand.u32 $0x7FFFFFFF, v8  }
0x1d: {  	s21 =	sadd.s32 $0x1, s21;
	(erf) = vpow2.f32 v7;
	v7 =	vsub.f32 $0.0e+00, v13  }
0x1e: {  	v14 =	vsub.f32 v6, v9;
	v13 =	vld [tilespmem:s21+$0x0]  }
0x1f: {  	v10 =	vsub.f32 v6, v10;
	v9 =	vmul.f32 $1.442695020e+00, v7  }
0x20: {  	vm1 =	vgt.f32 v14, $0.0e+00;
	v7 =	vsub.f32 v5, v12  }
0x21: {  	s23 =	sadd.s32 $0x1, s20;
	vm2 =	vgt.f32 v10, $0.0e+00;
	vm1 =	vmmov vm1;
	(erf) = vpow2.f32 v9  }
0x22: {  	v15 =	vld [tilespmem:s23+$0x0];
	vm3 =	vlt.f32 v14, $0.0e+00;
	vm1 =	vmmov vm1;
	v12 =	vand.u32 $0x7FFFFFFF, v7  }
0x23: {  	s24 =	sadd.s32 $0x1, s21;
	v9 =	vsub.f32 v6, v13;
	v13 =	vand.u32 $0x80000000, v14;
	v12 =	vsub.f32 $0.0e+00, v12  }
0x24: {  	v16 =	vld [tilespmem:s24+$0x0];
	vm4 =	vlt.f32 v10, $0.0e+00;
	vm1 =	vmor vm1, vm3;
	v13 =	vor.u32 v13, v1  }
0x25: {  	vm2 =	vmmov vm2;
	v12 =	vmul.f32 $1.442695020e+00, v12;
	v13 =	vsel vm1, v13, v14  }
0x26: {  	vm2 =	vmmov vm2;
	vm3 =	vgt.f32 v9, $0.0e+00;
	v13 =	vmul.f32 v13, v11  }
0x27: {  	s19 =	simm.s32 $0x31;
	vm1 =	vmmov vm3;
	v11 =	vsub.f32 v5, v15;
	v14 =	vpop (erf);
	(erf) = vpow2.f32 v12  }
0x28: {  	v12 =	vmov s19;
	v14 =	vadd.f32 $1.000000000e+00, v14;
	v17 =	vsub.f32 $0.0e+00, v13  }
0x29: {  	s22 =	simm.s32 $0x2D;
	s20 =	simm.s32 $0x2F;
	s23 =	sadd.s32 $0x1, s23;
	vm3 =	vgt.u32 v12, v0;
	v12 =	vsub.f32 v6, v16;
	v15 =	vand.u32 $0x7FFFFFFF, v11  }
0x2a: {  	s24 =	sadd.s32 $0x1, s24;
	s21 =	simm.s32 $0x30;
	s19 =	simm.s32 $0x2E;
	v16 =	vand.u32 $0x80000000, v10;
	v14 =	vnsel vm3, $0x3F800000, v14;
	v17 =	vmax.f32 v17, $0.0e+00;
	v13 =	vpop (erf)  }
.LBB2_3:
0x2b: {  	v18 =	vld [tilespmem:s23+$0x0];
	p0 =	seq.s32 s22, $0x1;
	v15 =	vsub.f32 $0.0e+00, v15;
	v16 =	vor.u32 v16, v1;
	v17 =	vnsel vm3, $0x0, v17;
	s25 =	smov.u32 s22;
	s22 =	sadd.s32 $0xFFFFFFFF, s22  }
0x2c: {  	vm2 =	vmor vm2, vm4;
	v4 =	vmul.f32 v14, v4;
	v19 =	vld [tilespmem:s24+$0x0];
	v3 =	vadd.f32 v17, v3  }
0x2d: {  	vm3 =	vgt.f32 v12, $0.0e+00;
	v14 =	vmul.f32 $1.442695020e+00, v15;
	v15 =	vsel vm2, v16, v10;
	v10 =	vmovc v9;
	v9 =	vmovc v12  }
.Ltmp0:
0x2e: {  	vm2 =	vmmov vm1;
	vm1 =	vmmov vm3;
	v12 =	vmul.f32 v15, v8;
	v8 =	vmovc v7;
	v7 =	vmovc v11;
	(pc) =	sbr.rel @!p0 .LBB2_3-.Ltmp0, $4  }
0x2f: {  	v15 =	vadd.f32 $1.000000000e+00, v13;
	(erf) = vpow2.f32 v14;
	v14 =	vmov s21;
	s21 =	smov.u32 s20;
	s20 =	smov.u32 s19;
	s19 =	smov.u32 s25  }
0x30: {  	v11 =	vsub.f32 v5, v18;
	v13 =	vpop (erf);
	vm3 =	vgt.u32 v14, v0;
	v17 =	vsub.f32 $0.0e+00, v12  }
0x31: {  	vm4 =	vlt.f32 v10, $0.0e+00;
	v12 =	vsub.f32 v6, v19;
	v14 =	vnsel vm3, $0x3F800000, v15  }
0x32: {  	s23 =	sadd.s32 $0x1, s23;
	s24 =	sadd.s32 $0x1, s24;
	v16 =	vand.u32 $0x80000000, v10;
	v15 =	vand.u32 $0x7FFFFFFF, v11;
	v17 =	vmax.f32 v17, $0.0e+00  }
0x33: {  	v5 =	vsub.f32 $0.0e+00, v15  }
0x34: {  	v6 =	vor.u32 v16, v1;
	v15 =	vnsel vm3, $0x0, v17;
	vm2 =	vmor vm2, vm4  }
0x35: {  	v4 =	vmul.f32 v14, v4;
	vm1 =	vmmov vm1;
	vm3 =	vlt.f32 v9, $0.0e+00  }
0x36: {  	v6 =	vsel vm2, v6, v10;
	v3 =	vadd.f32 v15, v3;
	vm2 =	vgt.f32 v12, $0.0e+00  }
0x37: {  	v10 =	vand.u32 $0x80000000, v9;
	vm1 =	vmor vm1, vm3;
	v5 =	vmul.f32 $1.442695020e+00, v5  }
0x38: {  	v6 =	vmul.f32 v6, v8;
	v8 =	vadd.f32 $1.000000000e+00, v13;
	v10 =	vor.u32 v10, v1  }
0x39: {  	vm2 =	vmmov vm2;
	(erf) = vpow2.f32 v5;
	v5 =	vmov s21  }
0x3a: {  	v6 =	vsub.f32 $0.0e+00, v6;
	vm3 =	vgt.u32 v5, v0;
	v5 =	vsel vm1, v10, v9  }
0x3b: {  	vm1 =	vmmov vm2;
	vm2 =	vlt.f32 v12, $0.0e+00;
	v8 =	vnsel vm3, $0x3F800000, v8  }
0x3c: {  	v9 =	vpop (erf);
	v6 =	vmax.f32 v6, $0.0e+00;
	v5 =	vmul.f32 v5, v7;
	v7 =	vand.u32 $0x80000000, v12  }
0x3d: {  	vm1 =	vmor vm1, vm2;
	v9 =	vadd.f32 $1.000000000e+00, v9;
	v7 =	vor.u32 v7, v1  }
0x3e: {  	v6 =	vnsel vm3, $0x0, v6;
	v4 =	vmul.f32 v8, v4;
	v7 =	vsel vm1, v7, v12  }
0x3f: {  	v8 =	vmov s20;
	v5 =	vsub.f32 $0.0e+00, v5;
	v7 =	vmul.f32 v7, v11  }
0x40: {  	v3 =	vadd.f32 v6, v3;
	vm1 =	vgt.u32 v8, v0  }
0x41: {  	v8 =	vnsel vm1, $0x3F800000, v9;
	v5 =	vmax.f32 v5, $0.0e+00;
	v7 =	vsub.f32 $0.0e+00, v7  }
0x42: {  	v4 =	vmul.f32 v8, v4;
	v8 =	vmov s19;
	v5 =	vnsel vm1, $0x0, v5  }
0x43: {  	vm1 =	vgt.u32 v8, v0;
	v3 =	vadd.f32 v5, v3;
	v5 =	vmax.f32 v7, $0.0e+00  }
0x44: {  	v7 =	vld [tilespmem:s12+$0x0];
	v5 =	vnsel vm1, $0x0, v5  }
0x45: {  	v3 =	vadd.f32 v5, v3;
	v5 =	vld [tilespmem:s18+$0x10];
	_ =	sdelay $0x2  }
0x46: {  	s30 =	sadd.s32 $0x1, s12  }
0x47: {  	v8 =	vld [tilespmem:s30+$0x0];
	v6 =	vpop (erf)  }
0x48: {  	v6 =	vadd.f32 $1.000000000e+00, v6;
	v11 =	vsub.f32 v5, v7;
	_ =	sdelay $0x1  }
0x49: {  	v9 =	vld [tilespmem:s13+$0x0];
	v6 =	vnsel vm1, $0x3F800000, v6;
	v7 =	vand.u32 $0x7FFFFFFF, v11  }
0x4a: {  	s31 =	sadd.s32 $0x1, s13;
	v4 =	vmul.f32 v6, v4;
	v6 =	vld [tilespmem:s18+$0x1990];
	v7 =	vsub.f32 $0.0e+00, v7  }
0x4b: {  	v10 =	vld [tilespmem:s31+$0x0];
	s20 =	sadd.s32 $0x1, s30;
	v8 =	vsub.f32 v5, v8  }
0x4c: {  	v12 =	vld [tilespmem:s20+$0x0];
	v7 =	vmul.f32 $1.442695020e+00, v7  }
0x4d: {  	v13 =	vand.u32 $0x7FFFFFFF, v8  }
0x4e: {  	s21 =	sadd.s32 $0x1, s31;
	(erf) = vpow2.f32 v7;
	v7 =	vsub.f32 $0.0e+00, v13  }
0x4f: {  	v14 =	vsub.f32 v6, v9;
	v13 =	vld [tilespmem:s21+$0x0]  }
0x50: {  	v10 =	vsub.f32 v6, v10;
	v9 =	vmul.f32 $1.442695020e+00, v7  }
0x51: {  	vm1 =	vgt.f32 v14, $0.0e+00;
	v7 =	vsub.f32 v5, v12  }
0x52: {  	s23 =	sadd.s32 $0x1, s20;
	vm2 =	vgt.f32 v10, $0.0e+00;
	vm1 =	vmmov vm1;
	(erf) = vpow2.f32 v9  }
0x53: {  	v15 =	vld [tilespmem:s23+$0x0];
	vm3 =	vlt.f32 v14, $0.0e+00;
	vm1 =	vmmov vm1;
	v12 =	vand.u32 $0x7FFFFFFF, v7  }
0x54: {  	s24 =	sadd.s32 $0x1, s21;
	v9 =	vsub.f32 v6, v13;
	v13 =	vand.u32 $0x80000000, v14;
	v12 =	vsub.f32 $0.0e+00, v12  }
0x55: {  	v16 =	vld [tilespmem:s24+$0x0];
	vm4 =	vlt.f32 v10, $0.0e+00;
	vm1 =	vmor vm1, vm3;
	v13 =	vor.u32 v13, v1  }
0x56: {  	vm2 =	vmmov vm2;
	v12 =	vmul.f32 $1.442695020e+00, v12;
	v13 =	vsel vm1, v13, v14  }
0x57: {  	vm2 =	vmmov vm2;
	vm3 =	vgt.f32 v9, $0.0e+00;
	v13 =	vmul.f32 v13, v11  }
0x58: {  	s29 =	simm.s32 $0x21;
	vm1 =	vmmov vm3;
	v11 =	vsub.f32 v5, v15;
	v14 =	vpop (erf);
	(erf) = vpow2.f32 v12  }
0x59: {  	v12 =	vmov s29;
	v14 =	vadd.f32 $1.000000000e+00, v14;
	v17 =	vsub.f32 $0.0e+00, v13  }
0x5a: {  	s22 =	simm.s32 $0x1D;
	s24 =	sadd.s32 $0x1, s24;
	s20 =	simm.s32 $0x1F;
	vm3 =	vgt.u32 v12, v0;
	v12 =	vsub.f32 v6, v16;
	v15 =	vand.u32 $0x7FFFFFFF, v11  }
0x5b: {  	s23 =	sadd.s32 $0x1, s23;
	s19 =	simm.s32 $0x1E;
	s21 =	simm.s32 $0x20;
	v16 =	vand.u32 $0x80000000, v10;
	v14 =	vnsel vm3, $0x3F800000, v14;
	v17 =	vmax.f32 v17, $0.0e+00;
	v13 =	vpop (erf)  }
.LBB2_5:
0x5c: {  	v18 =	vld [tilespmem:s23+$0x0];
	p0 =	seq.s32 s22, $0x1;
	v15 =	vsub.f32 $0.0e+00, v15;
	v16 =	vor.u32 v16, v1;
	v17 =	vnsel vm3, $0x0, v17;
	s25 =	smov.u32 s22;
	s22 =	sadd.s32 $0xFFFFFFFF, s22  }
0x5d: {  	vm2 =	vmor vm2, vm4;
	v4 =	vmul.f32 v14, v4;
	v19 =	vld [tilespmem:s24+$0x0];
	v3 =	vadd.f32 v17, v3  }
0x5e: {  	vm3 =	vgt.f32 v12, $0.0e+00;
	v14 =	vmul.f32 $1.442695020e+00, v15;
	v15 =	vsel vm2, v16, v10;
	v10 =	vmovc v9;
	v9 =	vmovc v12  }
.Ltmp1:
0x5f: {  	vm2 =	vmmov vm1;
	vm1 =	vmmov vm3;
	v12 =	vmul.f32 v15, v8;
	v8 =	vmovc v7;
	v7 =	vmovc v11;
	(pc) =	sbr.rel @!p0 .LBB2_5-.Ltmp1, $4  }
0x60: {  	v15 =	vadd.f32 $1.000000000e+00, v13;
	(erf) = vpow2.f32 v14;
	v14 =	vmov s21;
	s21 =	smov.u32 s20;
	s20 =	smov.u32 s19;
	s19 =	smov.u32 s25  }
0x61: {  	v11 =	vsub.f32 v5, v18;
	v13 =	vpop (erf);
	vm3 =	vgt.u32 v14, v0;
	v17 =	vsub.f32 $0.0e+00, v12  }
0x62: {  	vm4 =	vlt.f32 v10, $0.0e+00;
	v12 =	vsub.f32 v6, v19;
	v14 =	vnsel vm3, $0x3F800000, v15  }
0x63: {  	s23 =	sadd.s32 $0x1, s23;
	s24 =	sadd.s32 $0x1, s24;
	v16 =	vand.u32 $0x80000000, v10;
	v15 =	vand.u32 $0x7FFFFFFF, v11;
	v17 =	vmax.f32 v17, $0.0e+00  }
0x64: {  	v5 =	vsub.f32 $0.0e+00, v15  }
0x65: {  	v6 =	vor.u32 v16, v1;
	v15 =	vnsel vm3, $0x0, v17;
	vm2 =	vmor vm2, vm4  }
0x66: {  	v4 =	vmul.f32 v14, v4;
	vm1 =	vmmov vm1;
	vm3 =	vlt.f32 v9, $0.0e+00  }
0x67: {  	v6 =	vsel vm2, v6, v10;
	v3 =	vadd.f32 v15, v3;
	v5 =	vmul.f32 $1.442695020e+00, v5  }
0x68: {  	vm2 =	vgt.f32 v12, $0.0e+00;
	v10 =	vand.u32 $0x80000000, v9;
	vm1 =	vmor vm1, vm3  }
0x69: {  	v6 =	vmul.f32 v6, v8;
	v8 =	vadd.f32 $1.000000000e+00, v13;
	(erf) = vpow2.f32 v5  }
0x6a: {  	v10 =	vor.u32 v10, v1;
	vm2 =	vmmov vm2;
	v5 =	vmov s21  }
0x6b: {  	v6 =	vsub.f32 $0.0e+00, v6;
	vm3 =	vgt.u32 v5, v0;
	v5 =	vsel vm1, v10, v9  }
0x6c: {  	vm1 =	vmmov vm2;
	vm2 =	vlt.f32 v12, $0.0e+00;
	v8 =	vnsel vm3, $0x3F800000, v8  }
0x6d: {  	v9 =	vpop (erf);
	v6 =	vmax.f32 v6, $0.0e+00;
	v5 =	vmul.f32 v5, v7;
	v7 =	vand.u32 $0x80000000, v12  }
0x6e: {  	vm1 =	vmor vm1, vm2;
	v9 =	vadd.f32 $1.000000000e+00, v9;
	v6 =	vnsel vm3, $0x0, v6  }
0x6f: {  	v7 =	vor.u32 v7, v1;
	v4 =	vmul.f32 v8, v4;
	v8 =	vmov s20  }
0x70: {  	v5 =	vsub.f32 $0.0e+00, v5;
	v7 =	vsel vm1, v7, v12;
	vm1 =	vgt.u32 v8, v0  }
0x71: {  	v7 =	vmul.f32 v7, v11;
	v8 =	vnsel vm1, $0x3F800000, v9  }
0x72: {  	v3 =	vadd.f32 v6, v3;
	v5 =	vmax.f32 v5, $0.0e+00;
	v4 =	vmul.f32 v8, v4;
	v6 =	vpop (erf)  }
0x73: {  	v8 =	vmov s19;
	v7 =	vsub.f32 $0.0e+00, v7;
	v6 =	vadd.f32 $1.000000000e+00, v6  }
0x74: {  	v5 =	vnsel vm1, $0x0, v5;
	vm1 =	vgt.u32 v8, v0  }
0x75: {  	v3 =	vadd.f32 v5, v3;
	v5 =	vmax.f32 v7, $0.0e+00;
	v6 =	vnsel vm1, $0x3F800000, v6  }
0x76: {  	v7 =	vnsel vm1, $0x0, v5;
	v5 =	vmul.f32 v6, v4;
	v6 =	vld [tilespmem:s18+$0x20]  }
0x77: {  	v4 =	vld [tilespmem:s14+$0x0];
	_ =	sdelay $0x2  }
0x78: {  	s30 =	sadd.s32 $0x1, s14  }
0x79: {  	v3 =	vadd.f32 v7, v3;
	v7 =	vld [tilespmem:s30+$0x0]  }
0x7a: {  	v10 =	vsub.f32 v6, v4;
	_ =	sdelay $0x1  }
0x7b: {  	v9 =	vld [tilespmem:s15+$0x0];
	v4 =	vand.u32 $0x7FFFFFFF, v10  }
0x7c: {  	s31 =	sadd.s32 $0x1, s15;
	v8 =	vld [tilespmem:s18+$0x19A0];
	v4 =	vsub.f32 $0.0e+00, v4  }
0x7d: {  	s20 =	sadd.s32 $0x1, s30;
	v11 =	vld [tilespmem:s31+$0x0];
	v7 =	vsub.f32 v6, v7  }
0x7e: {  	v12 =	vld [tilespmem:s20+$0x0];
	v4 =	vmul.f32 $1.442695020e+00, v4  }
0x7f: {  	v13 =	vand.u32 $0x7FFFFFFF, v7  }
0x80: {  	s21 =	sadd.s32 $0x1, s31;
	(erf) = vpow2.f32 v4;
	v4 =	vsub.f32 $0.0e+00, v13  }
0x81: {  	v14 =	vsub.f32 v8, v9;
	v13 =	vld [tilespmem:s21+$0x0]  }
0x82: {  	v11 =	vsub.f32 v8, v11;
	v9 =	vmul.f32 $1.442695020e+00, v4  }
0x83: {  	vm1 =	vgt.f32 v14, $0.0e+00;
	v4 =	vsub.f32 v6, v12  }
0x84: {  	s23 =	sadd.s32 $0x1, s20;
	vm2 =	vgt.f32 v11, $0.0e+00;
	vm1 =	vmmov vm1;
	(erf) = vpow2.f32 v9  }
0x85: {  	v15 =	vld [tilespmem:s23+$0x0];
	vm3 =	vlt.f32 v14, $0.0e+00;
	vm1 =	vmmov vm1;
	v12 =	vand.u32 $0x7FFFFFFF, v4  }
0x86: {  	s24 =	sadd.s32 $0x1, s21;
	v9 =	vsub.f32 v8, v13;
	v13 =	vand.u32 $0x80000000, v14;
	v12 =	vsub.f32 $0.0e+00, v12  }
0x87: {  	v16 =	vld [tilespmem:s24+$0x0];
	vm4 =	vlt.f32 v11, $0.0e+00;
	vm1 =	vmor vm1, vm3;
	v13 =	vor.u32 v13, v1  }
0x88: {  	vm2 =	vmmov vm2;
	v12 =	vmul.f32 $1.442695020e+00, v12;
	v13 =	vsel vm1, v13, v14  }
0x89: {  	vm2 =	vmmov vm2;
	vm3 =	vgt.f32 v9, $0.0e+00;
	v13 =	vmul.f32 v13, v10  }
0x8a: {  	s29 =	simm.s32 $0x11;
	vm1 =	vmmov vm3;
	v10 =	vsub.f32 v6, v15;
	v14 =	vpop (erf);
	(erf) = vpow2.f32 v12  }
0x8b: {  	v12 =	vmov s29;
	v14 =	vadd.f32 $1.000000000e+00, v14;
	v17 =	vsub.f32 $0.0e+00, v13  }
0x8c: {  	s22 =	simm.s32 $0xD;
	s24 =	sadd.s32 $0x1, s24;
	s20 =	simm.s32 $0xF;
	vm3 =	vgt.u32 v12, v0;
	v12 =	vsub.f32 v8, v16;
	v15 =	vand.u32 $0x7FFFFFFF, v10  }
0x8d: {  	s23 =	sadd.s32 $0x1, s23;
	s19 =	simm.s32 $0xE;
	s21 =	simm.s32 $0x10;
	v16 =	vand.u32 $0x80000000, v11;
	v14 =	vnsel vm3, $0x3F800000, v14;
	v17 =	vmax.f32 v17, $0.0e+00;
	v13 =	vpop (erf)  }
.LBB2_7:
0x8e: {  	v18 =	vld [tilespmem:s23+$0x0];
	p0 =	sne.s32 s22, $0x1;
	v15 =	vsub.f32 $0.0e+00, v15;
	v16 =	vor.u32 v16, v1;
	v17 =	vnsel vm3, $0x0, v17;
	s25 =	smov.u32 s22;
	s22 =	sadd.s32 $0xFFFFFFFF, s22  }
0x8f: {  	vm2 =	vmor vm2, vm4;
	v5 =	vmul.f32 v14, v5;
	v19 =	vld [tilespmem:s24+$0x0];
	v3 =	vadd.f32 v17, v3  }
0x90: {  	vm3 =	vgt.f32 v12, $0.0e+00;
	v14 =	vmul.f32 $1.442695020e+00, v15;
	v15 =	vsel vm2, v16, v11;
	v11 =	vmovc v9;
	v9 =	vmovc v12  }
.Ltmp2:
0x91: {  	vm2 =	vmmov vm1;
	vm1 =	vmmov vm3;
	v12 =	vmul.f32 v15, v7;
	v7 =	vmovc v4;
	v4 =	vmovc v10;
	(pc) =	sbr.rel @p0 .LBB2_7-.Ltmp2, $4  }
0x92: {  	v15 =	vadd.f32 $1.000000000e+00, v13;
	(erf) = vpow2.f32 v14;
	v14 =	vmov s21;
	s21 =	smov.u32 s20;
	s20 =	smov.u32 s19;
	s19 =	smov.u32 s25  }
0x93: {  	v10 =	vsub.f32 v6, v18;
	v13 =	vpop (erf);
	vm3 =	vgt.u32 v14, v0;
	v17 =	vsub.f32 $0.0e+00, v12  }
0x94: {  	vm4 =	vlt.f32 v11, $0.0e+00;
	v12 =	vsub.f32 v8, v19;
	v14 =	vnsel vm3, $0x3F800000, v15  }
0x95: {  	s23 =	sadd.s32 $0x1, s23;
	s24 =	sadd.s32 $0x1, s24;
	v16 =	vand.u32 $0x80000000, v11;
	v15 =	vand.u32 $0x7FFFFFFF, v10;
	v17 =	vmax.f32 v17, $0.0e+00  }
0x96: {  	v6 =	vld [tilespmem:s18+$0x30]  }
0x97: {  	v8 =	vld [tilespmem:s18+$0x31];
	_ =	sdelay $0x3  }
0x98: {  	v5 =	vmul.f32 v14, v5;
	v42 =	vsub.f32 $0.0e+00, v15  }
0x99: {  	v43 =	vor.u32 v16, v1;
	v44 =	vnsel vm3, $0x0, v17;
	v6 =	vsub.f32 v6, v8  }
0x9a: {  	vm2 =	vmor vm2, vm4;
	vm3 =	vgt.f32 v12, $0.0e+00;
	vm1 =	vmmov vm1  }
0x9b: {  	v47 =	vmov s21;
	v13 =	vadd.f32 $1.000000000e+00, v13;
	v45 =	vand.u32 $0x7FFFFFFF, v6  }
0x9c: {  	vm14 =	vlt.f32 v9, $0.0e+00;
	v8 =	vmul.f32 $1.442695020e+00, v42;
	v46 =	vsub.f32 $0.0e+00, v45  }
0x9d: {  	v49 =	vand.u32 $0x80000000, v9;
	v56 =	vand.u32 $0x80000000, v12;
	v58 =	vmov s19  }
0x9e: {  	v11 =	vsel vm2, v43, v11;
	(erf) = vpow2.f32 v8;
	v48 =	vmul.f32 $1.442695020e+00, v46  }
0x9f: {  	v52 =	vld [tilespmem:s18+$0x19B0];
	vm2 =	vmmov vm3;
	vm3 =	vgt.u32 v47, v0;
	v7 =	vmul.f32 v11, v7  }
0xa0: {  	v54 =	vld [tilespmem:s18+$0x19B1];
	vm1 =	vmor vm1, vm14;
	v11 =	vor.u32 v49, v1;
	(erf) = vpow2.f32 v48  }
0xa1: {  	v50 =	vnsel vm3, $0x3F800000, v13;
	v51 =	vsel vm1, v11, v9;
	v7 =	vsub.f32 $0.0e+00, v7  }
0xa2: {  	v3 =	vadd.f32 v44, v3;
	v5 =	vmul.f32 v50, v5;
	v4 =	vmul.f32 v51, v4  }
0xa3: {  	vm1 =	vmmov vm2;
	v9 =	vor.u32 v56, v1;
	v53 =	vpop (erf);
	v7 =	vmax.f32 v7, $0.0e+00  }
0xa4: {  	v55 =	vadd.f32 $1.000000000e+00, v53;
	v4 =	vsub.f32 $0.0e+00, v4;
	v7 =	vnsel vm3, $0x0, v7  }
0xa5: {  	vm3 =	vlt.f32 v12, $0.0e+00;
	v8 =	vsub.f32 v52, v54;
	v3 =	vadd.f32 v7, v3  }
0xa6: {  	v7 =	vmov s20;
	v4 =	vmax.f32 v4, $0.0e+00;
	vm1 =	vmor vm1, vm3  }
0xa7: {  	vm2 =	vgt.u32 v7, v0;
	v60 =	vand.u32 $0x80000000, v8;
	vm3 =	vlt.f32 v8, $0.0e+00;
	v57 =	vpop (erf)  }
0xa8: {  	vm15 =	vgt.f32 v8, $0.0e+00;
	v7 =	vnsel vm2, $0x3F800000, v55;
	v13 =	vadd.f32 $1.000000000e+00, v57  }
0xa9: {  	v5 =	vmul.f32 v7, v5;
	v7 =	vsel vm1, v9, v12;
	vm1 =	vgt.u32 v58, v0;
	v61 =	vpop (erf)  }
0xaa: {  	v62 =	vor.u32 v60, v1;
	v59 =	vnsel vm1, $0x3F800000, v13;
	v11 =	vadd.f32 $1.000000000e+00, v61  }
0xab: {  	vm3 =	vmor vm15, vm3;
	v7 =	vmul.f32 v7, v10;
	v5 =	vmul.f32 v59, v5  }
0xac: {  	v4 =	vnsel vm2, $0x0, v4;
	v8 =	vsel vm3, v62, v8;
	v63 =	vnsel vm0, $0x3F800000, v11  }
0xad: {  	s17 =	sadd.s32 $0x1, s17;
	v6 =	vmul.f32 v8, v6;
	v7 =	vsub.f32 $0.0e+00, v7;
	v5 =	vmul.f32 v63, v5  }
0xae: {  	p0 =	sne.s32 s17, $0x80;
	v3 =	vadd.f32 v4, v3  }
.Ltmp3:
0xaf: {  	v6 =	vsub.f32 $0.0e+00, v6;
	v4 =	vmax.f32 v7, $0.0e+00;
	v7 =	vshrl.u32 v5, $0x17;
	(pc) =	sbr.rel @p0 .LBB2_2-.Ltmp3, $4  }
0xb0: {  	v4 =	vnsel vm1, $0x0, v4;
	v7 =	vadd.s32 $0xFFFFFF81, v7  }
0xb1: {  	v3 =	vadd.f32 v4, v3;
	v4 =	vmax.f32 v6, $0.0e+00;
	v6 =	vcvt.s32.f32 v7  }
0xb2: {  	s16 =	sadd.s32 $0x32, s16;
	s11 =	sadd.s32 $0x32, s11;
	s12 =	sadd.s32 $0x32, s12;
	v4 =	vnsel vm0, $0x0, v4;
	v5 =	vand.u32 $0x7FFFFF, v5  }
0xb3: {  	s13 =	sadd.s32 $0x32, s13;
	s14 =	sadd.s32 $0x32, s14;
	s15 =	sadd.s32 $0x32, s15;
	v3 =	vadd.f32 v4, v3;
	v4 =	vor.u32 $0x3F800000, v5;
	v2 =	vadd.f32 v6, v2  }
0xb4: {  	v4 =	vadd.f32 $-1.000000000e+00, v4;
	_ =	sdelay $0x1  }
0xb5: {  	v5 =	vmul.f32 $-3.301341790e-03, v4;
	_ =	sdelay $0x1  }
0xb6: {  	v5 =	vadd.f32 $2.185253050e-02, v5;
	_ =	sdelay $0x1  }
0xb7: {  	v5 =	vmul.f32 v5, v4;
	_ =	sdelay $0x1  }
0xb8: {  	v5 =	vadd.f32 $-6.800557670e-02, v5;
	_ =	sdelay $0x1  }
0xb9: {  	v5 =	vmul.f32 v5, v4;
	_ =	sdelay $0x1  }
0xba: {  	v5 =	vadd.f32 $1.366380010e-01, v5;
	_ =	sdelay $0x1  }
0xbb: {  	v5 =	vmul.f32 v5, v4;
	_ =	sdelay $0x1  }
0xbc: {  	v5 =	vadd.f32 $-2.094535830e-01, v5;
	_ =	sdelay $0x1  }
0xbd: {  	v5 =	vmul.f32 v5, v4;
	_ =	sdelay $0x1  }
0xbe: {  	v5 =	vadd.f32 $2.789876760e-01, v5;
	_ =	sdelay $0x1  }
0xbf: {  	v5 =	vmul.f32 v5, v4;
	_ =	sdelay $0x1  }
0xc0: {  	v5 =	vadd.f32 $-3.587395250e-01, v5;
	_ =	sdelay $0x1  }
0xc1: {  	v5 =	vmul.f32 v5, v4;
	_ =	sdelay $0x1  }
0xc2: {  	v5 =	vadd.f32 $4.806585910e-01, v5;
	_ =	sdelay $0x1  }
0xc3: {  	v5 =	vmul.f32 v5, v4;
	_ =	sdelay $0x1  }
0xc4: {  	v5 =	vadd.f32 $-7.213313580e-01, v5;
	_ =	sdelay $0x1  }
0xc5: {  	v5 =	vmul.f32 v5, v4;
	_ =	sdelay $0x1  }
0xc6: {  	v5 =	vadd.f32 $1.442694540e+00, v5;
	_ =	sdelay $0x1  }
0xc7: {  	v4 =	vmul.f32 v5, v4;
	_ =	sdelay $0x1  }
0xc8: {  	v4 =	vadd.f32 $3.444459610e-09, v4;
	_ =	sdelay $0x1  }
0xc9: {  	v2 =	vadd.f32 v4, v2;
	_ =	sdelay $0x1  }
0xca: {  	v2 =	vmul.f32 $6.931471820e-01, v2;
	_ =	sdelay $0x1  }
0xcb: {  	s10 =	sadd.s32 $0x1, s10;
	v2 =	vadd.f32 v2, v3  }
0xcc: {  	p0 =	sne.s32 s10, s6  }
.Ltmp4:
0xcd: {  	[tilespmem:$0x3300] =	vst v2;
	(pc) =	sbr.rel @p0 .LBB2_1-.Ltmp4, $4  }
0xce: {  	[hbm4b:s5+s2] =	stream.linear.scatter [tilespmem:s8], [sflag:$0x1], $0x80, $0x38;
	[tilespmem:$0x3380] =	vst v63  }
0xcf: {  	_ =	swait.ge [sflag:s9], $0x80  }
0xd0: {  	[sflag:s9] =	ssyncset.done $0x0  }
0xd1: {  	[sflag:s9] =	ssyncadd.s32 $0xFFFFFF80  }
0xd2: {  	_ =	sfence.sel $0x180000  }
0xd3: {  	[bflag:$0x0] =	sbarrier.arrive $0xFFFF  }
0xd4: {  	p0 =	sne.s32 s0, $0x0;
	_ =	strace $0x90000047  }
0xd5: {  	s0 =	sadd.s32 @!p0 $0x100000, s1;
	[bflag:$0x2] =	sbarrier.arrive $0xFFFF  }
0xd6: {  	[sflag:s0] =	ssyncadd.tile.s32 @!p0 $0x1;
	_ =	shalt  }
.Lfunc_end2:
_tile_overlayer_lowered:
.L_overlay_start_2:
0xd7: {  	(tag) =	ssettag $0x2  }
0xd8: {  	s0 =	rddreg [dreg:$0x0];
	s2 =	stileid.u32  }
0xd9: {  	s1 =	rddreg [dreg:$0x1];
	p0 =	sne.s32 s2, $0x0  }
0xda: {  	s3 =	rddreg [dreg:$0x2];
	[bflag:$0x3] =	sbarrier.arrive $0xFFFF;
	s2 =	simm.s32 @!p0 $0x1C01  }
0xdb: {  	[timem:s3], [sflag:s2] =	dma.local @!p0 [hbm:s0], s1  }
0xdc: {  	s0 =	simm.s32 @!p0 $0x1  }
0xdd: {  	_ =	swait.ge @!p0 [sflag:s0], s1  }
0xde: {  	s1 =	ssub.s32 @!p0 $0x0, s1;
	[sflag:s0] =	ssyncset.done @!p0 $0x0  }
0xdf: {  	[sflag:s0] =	ssyncadd.s32 @!p0 s1  }
0xe0: {  	[bflag:$0x3] =	sbarrier.arrive $0xFFFF  }
0xe1: {  	_ =	shalt  }

</sc_bundles>
